<compile_context>
chip_gen: v7x
topology: tpu7x:2x2x1
jax: 0.10.2.dev20260603
libtpu: 0.0.44.dev20260713+nightly
codegen_flags: <defaults>
</compile_context>

<pallas_src>
import functools

import jax
import jax.numpy as jnp
from jax import lax
from jax.experimental import pallas as pl
from jax.experimental.pallas import tpu as pltpu
from jax.experimental.pallas import tpu_sc as plsc

NC, NS = 2, 16
NW = NC * NS
L = 16

NV = 100000
D = 64
NM = 16384
NSEL = 32768
B = 16
QROWS = 272

M_PER_W = NM // NW
S_PER_W = NSEL // NW
DMA_CHUNK = 128

_mesh = plsc.VectorSubcoreMesh(
    core_axis_name="c", subcore_axis_name="s", num_cores=NC, num_subcores=NS)
_sc_params = pltpu.CompilerParams(use_tc_tiling_on_sc=False,
                                  needs_layout_passes=False)

_f32 = jnp.float32
_i32 = jnp.int32


@functools.partial(
    pl.kernel,
    out_type=[jax.ShapeDtypeStruct((NM, D), _f32),
              jax.ShapeDtypeStruct((2 * B, D), _f32)],
    mesh=_mesh,
    compiler_params=_sc_params,
    scratch_types=[
        pltpu.VMEM((M_PER_W,), _i32),
        pltpu.VMEM((M_PER_W, D), _f32),
        pltpu.VMEM((2 * B,), _i32),
        pltpu.VMEM((2 * B, D), _f32),
        pltpu.SemaphoreType.DMA,
    ],
)
def _gather_stage(graph_hbm, mention_idx_hbm, last_hbm,
                  me_out, sp_out, idx_v, rows_v, last_v, sp_v, sem):
    wid = lax.axis_index("s") * NC + lax.axis_index("c")
    base = wid * M_PER_W
    pltpu.sync_copy(mention_idx_hbm.at[pl.ds(base, M_PER_W)], idx_v)
    cps = [
        pltpu.async_copy(
            graph_hbm.at[idx_v.at[pl.ds(j * DMA_CHUNK, DMA_CHUNK)]],
            rows_v.at[pl.ds(j * DMA_CHUNK, DMA_CHUNK)],
            sem)
        for j in range(M_PER_W // DMA_CHUNK)
    ]
    for cp in cps:
        cp.wait()
    pltpu.sync_copy(rows_v, me_out.at[pl.ds(base, M_PER_W)])

    @pl.when(wid == 0)
    def _():
        pltpu.sync_copy(last_hbm, last_v)
        for r in range(2):
            v = last_v[pl.ds(r * L, L)]
            last_v[pl.ds(r * L, L)] = jnp.minimum(v, NV - 1)
        pltpu.async_copy(graph_hbm.at[last_v], sp_v, sem).wait()
        pltpu.sync_copy(sp_v, sp_out)


def _dense_body(me_ref, mbi_ref, utt_ref, attw_ref, attv_ref, sp_ref,
                last_ref, grp_ref, intent_ref, lw_ref, lb_ref, q_ref):
    hi = jax.lax.Precision.HIGHEST
    me = me_ref[...]
    h = jnp.tanh(lax.dot_general(me, attw_ref[...], (((1,), (0,)), ((), ())),
                                 preferred_element_type=_f32))
    beta = jnp.sum(h * attv_ref[...][None, :], axis=1, keepdims=True)
    eb = jnp.exp(beta)
    iota_b = lax.broadcasted_iota(_i32, (B, NM), 0)
    onehot = (iota_b == mbi_ref[...].reshape(1, NM)).astype(_f32)
    denom = lax.dot_general(onehot, eb, (((1,), (0,)), ((), ())),
                            preferred_element_type=_f32)
    num = lax.dot_general(onehot, me * eb, (((1,), (0,)), ((), ())),
                          preferred_element_type=_f32)
    portrait = num / jnp.where(denom > 0.0, denom, 1.0)
    utt = utt_ref[...]
    context = jnp.concatenate([utt, portrait], axis=1)

    iota16 = lax.broadcasted_iota(_i32, (B, B), 1)
    r_row = lax.broadcasted_iota(_i32, (B * B, B), 0)
    r_col = lax.broadcasted_iota(_i32, (B * B, B), 1)
    selb_oh = (r_row // B == r_col).astype(_f32)
    selg_oh = (r_row % B == r_col).astype(_f32)
    u_rep = lax.dot_general(selb_oh, utt, (((1,), (0,)), ((), ())),
                            precision=hi, preferred_element_type=_f32)
    p_rep = lax.dot_general(selb_oh, portrait, (((1,), (0,)), ((), ())),
                            precision=hi, preferred_element_type=_f32)

    for i in range(2):
        grp = grp_ref[i]
        g_oh = (grp[:, None] == iota16).astype(_f32)
        tiled_ctx = lax.dot_general(g_oh, context, (((1,), (0,)), ((), ())),
                                    precision=hi, preferred_element_type=_f32)
        lr = last_ref[i]
        spm = sp_ref[pl.ds(i * B, B), :] * (lr < NV).astype(_f32)[:, None]
        gctx = jnp.concatenate([tiled_ctx, spm], axis=1)
        logits = lax.dot_general(gctx, lw_ref[i], (((1,), (1,)), ((), ())),
                                 precision=hi, preferred_element_type=_f32)
        wmat = jax.nn.sigmoid(logits + lb_ref[i][None, :])
        ii = intent_ref[i][:, None]
        w = jnp.where(ii == 0, wmat[:, 0:1],
                      jnp.where(ii == 1, wmat[:, 1:2], wmat[:, 2:3]))
        w_rep = lax.dot_general(selg_oh, w, (((1,), (0,)), ((), ())),
                                precision=hi, preferred_element_type=_f32)
        qi = u_rep * w_rep + p_rep * (1.0 - w_rep)
        q_ref[i, pl.ds(0, B * B), :] = qi
        q_ref[i, pl.ds(B * B, QROWS - B * B), :] = jnp.zeros(
            (QROWS - B * B, D), _f32)


_dense_call = pl.pallas_call(
    _dense_body,
    out_shape=jax.ShapeDtypeStruct((2, QROWS, D), _f32),
)


@functools.partial(
    pl.kernel,
    out_type=[jax.ShapeDtypeStruct((2, NSEL, D), _f32),
              jax.ShapeDtypeStruct((2, NSEL), _i32)],
    mesh=_mesh,
    compiler_params=_sc_params,
    scratch_types=[
        pltpu.VMEM((S_PER_W,), _i32),
        pltpu.VMEM((S_PER_W,), _i32),
        pltpu.VMEM((S_PER_W,), _i32),
        pltpu.VMEM((S_PER_W,), _i32),
        pltpu.VMEM((S_PER_W,), _i32),
        pltpu.VMEM((S_PER_W, D), _f32),
        pltpu.SemaphoreType.DMA,
    ],
)
def _gather_walk_stage(graph_hbm, sel_hbm, selb_hbm, selg_hbm,
                       rows_out, c16_out, sel_v, b_v, g_v, idxc_v, c16_v,
                       rows_v, sem):
    wid = lax.axis_index("s") * NC + lax.axis_index("c")
    base = wid * S_PER_W
    for i in range(2):
        pltpu.sync_copy(sel_hbm.at[i, pl.ds(base, S_PER_W)], sel_v)
        pltpu.sync_copy(selb_hbm.at[i, pl.ds(base, S_PER_W)], b_v)
        pltpu.sync_copy(selg_hbm.at[i, pl.ds(base, S_PER_W)], g_v)

        def prep_body(t, carry):
            off = t * L
            sv = sel_v[pl.ds(off, L)]
            idxc_v[pl.ds(off, L)] = jnp.minimum(sv, NV - 1)
            c16 = b_v[pl.ds(off, L)] * B + g_v[pl.ds(off, L)]
            c16_v[pl.ds(off, L)] = jnp.where(sv >= NV, B * B, c16)
            return carry
        lax.fori_loop(0, S_PER_W // L, prep_body, 0)

        cps = [
            pltpu.async_copy(
                graph_hbm.at[idxc_v.at[pl.ds(j * DMA_CHUNK, DMA_CHUNK)]],
                rows_v.at[pl.ds(j * DMA_CHUNK, DMA_CHUNK)],
                sem)
            for j in range(S_PER_W // DMA_CHUNK)
        ]
        pltpu.sync_copy(c16_v, c16_out.at[i, pl.ds(base, S_PER_W)])
        for cp in cps:
            cp.wait()
        pltpu.sync_copy(rows_v, rows_out.at[i, pl.ds(base, S_PER_W)])


NBLK = 8
CHUNK = NSEL // NBLK


def _walk_dot_body(q_ref, c16_ref, rows_ref, out_ref):
    c = c16_ref[0, 0, :]
    iota_q = lax.broadcasted_iota(_i32, (CHUNK, QROWS), 1)
    oh = (c[:, None] == iota_q).astype(_f32)
    tq = lax.dot_general(oh, q_ref[0], (((1,), (0,)), ((), ())),
                         precision=jax.lax.Precision.HIGHEST,
                         preferred_element_type=_f32)
    out_ref[0, 0, :] = jnp.sum(tq * rows_ref[0], axis=1)


_walk_dot_call = pl.pallas_call(
    _walk_dot_body,
    grid=(2, NBLK),
    in_specs=[
        pl.BlockSpec((1, QROWS, D), lambda i, j: (i, 0, 0)),
        pl.BlockSpec((1, 1, CHUNK), lambda i, j: (i * NBLK + j, 0, 0)),
        pl.BlockSpec((1, CHUNK, D), lambda i, j: (i, j, 0)),
    ],
    out_specs=pl.BlockSpec((1, 1, CHUNK), lambda i, j: (i * NBLK + j, 0, 0)),
    out_shape=jax.ShapeDtypeStruct((2 * NBLK, 1, CHUNK), _f32),
)


def kernel(graph_embed, utterance_embed, mention_index, mention_batch_index,
           sel_indices, sel_batch_indices, sel_group_indices,
           grp_batch_indices, last_indices, intent_indices,
           att_W, att_V, layer_w, layer_b):
    mi = mention_index.astype(_i32)
    mbi = mention_batch_index.astype(_i32)
    sel = sel_indices.astype(_i32)
    selb = sel_batch_indices.astype(_i32)
    selg = sel_group_indices.astype(_i32)
    grp = grp_batch_indices.astype(_i32)
    last = last_indices.astype(_i32)
    intent = intent_indices.astype(_i32)

    me, sp = _gather_stage(graph_embed, mi, last.reshape(2 * B))
    q = _dense_call(me, mbi, utterance_embed, att_W, att_V, sp,
                    last, grp, intent, layer_w, layer_b)
    rows, c16 = _gather_walk_stage(graph_embed, sel, selb, selg)
    c16r = c16.reshape(2 * NBLK, 1, CHUNK)
    out = _walk_dot_call(q, c16r, rows)
    return out.reshape(2, NSEL)

# --- scband reference (transcript-rebuilt; emitter-appended) ---
"""Pipeline reference for scband-graph-walker-19559281066069 (READ-ONLY COPY).

The authoritative reference and input builder live on the scoring server;
editing this copy changes nothing except your own understanding.
"""

import jax, jax.numpy as jnp
import numpy as np


def setup_inputs(seed: int = 0):
    key = jax.random.key(seed)
    ks = jax.random.split(key, 14)
    graph_embed = jax.random.normal(ks[0], (100000, 64), dtype=jnp.float32)
    utterance_embed = jax.random.normal(ks[1], (16, 64), dtype=jnp.float32)
    mention_index = jax.random.randint(ks[2], (16384,), 0, 100000)
    mention_batch_index = jnp.sort(jax.random.randint(ks[3], (16384,), 0, 16))
    sel_indices = jax.random.randint(ks[4], (2, 32768), 0, 100001)
    sel_batch_indices = jnp.sort(jax.random.randint(ks[5], (2, 32768), 0, 16), axis=-1)
    sel_group_indices = jnp.sort(jax.random.randint(ks[6], (2, 32768), 0, 16), axis=-1)
    grp_batch_indices = jnp.sort(jax.random.randint(ks[7], (2, 16), 0, 16), axis=-1)
    last_indices = jax.random.randint(ks[8], (2, 16), 0, 100001)
    intent_indices = jax.random.randint(ks[9], (2, 16), 0, 3)
    att_W = jax.random.normal(ks[10], (64, 20), dtype=jnp.float32) * 0.1
    att_V = jax.random.normal(ks[11], (20,), dtype=jnp.float32) * 0.1
    layer_w = jax.random.normal(ks[12], (2, 3, 192), dtype=jnp.float32) * 0.05
    layer_b = jax.random.normal(ks[13], (2, 3), dtype=jnp.float32) * 0.01
    return {
        'graph_embed': graph_embed,
        'utterance_embed': utterance_embed,
        'mention_index': mention_index,
        'mention_batch_index': mention_batch_index,
        'sel_indices': sel_indices,
        'sel_batch_indices': sel_batch_indices,
        'sel_group_indices': sel_group_indices,
        'grp_batch_indices': grp_batch_indices,
        'last_indices': last_indices,
        'intent_indices': intent_indices,
        'att_W': att_W,
        'att_V': att_V,
        'layer_w': layer_w,
        'layer_b': layer_b,
    }


def reference(graph_embed, utterance_embed, mention_index, mention_batch_index,
              sel_indices, sel_batch_indices, sel_group_indices, grp_batch_indices,
              last_indices, intent_indices, att_W, att_V, layer_w, layer_b):
    B = utterance_embed.shape[0]
    # Self_Attention user portrait (segment-softmax over mentions)
    mention_embed = jnp.take(graph_embed, mention_index, axis=0)
    beta = jnp.tanh(mention_embed @ att_W) @ att_V
    exp_beta = jnp.exp(beta)
    grouped_sum = jax.ops.segment_sum(exp_beta, mention_batch_index, num_segments=B)
    alpha = exp_beta / jnp.take(grouped_sum, mention_batch_index, axis=0)
    user_portrait = jax.ops.segment_sum(alpha[:, None] * mention_embed, mention_batch_index, num_segments=B)
    # extended graph table with abstract node
    graph_e = jnp.concatenate([graph_embed, jnp.zeros((1, graph_embed.shape[1]), graph_embed.dtype)], axis=0)
    context = jnp.concatenate([utterance_embed, user_portrait], axis=-1)
    paths = []
    for i in range(2):
        gf = jnp.take(graph_e, sel_indices[i], axis=0)
        tiled_ctx = jnp.take(context, grp_batch_indices[i], axis=0)
        sp = jnp.take(graph_e, last_indices[i], axis=0)
        grp_ctx = jnp.concatenate([tiled_ctx, sp], axis=-1)
        wc = jax.nn.sigmoid(grp_ctx @ layer_w[i, 0] + layer_b[i, 0])
        wq = jax.nn.sigmoid(grp_ctx @ layer_w[i, 1] + layer_b[i, 1])
        wr = jax.nn.sigmoid(grp_ctx @ layer_w[i, 2] + layer_b[i, 2])
        intent = intent_indices[i]
        w = jnp.where(intent == 0, wc, jnp.where(intent == 1, wq, wr))
        tiled_w = jnp.take(w, sel_group_indices[i], axis=0)[:, None]
        tiled_u = jnp.take(utterance_embed, sel_batch_indices[i], axis=0)
        tiled_p = jnp.take(user_portrait, sel_batch_indices[i], axis=0)
        qv = tiled_u * tiled_w + tiled_p * (1.0 - tiled_w)
        paths.append(jnp.sum(qv * gf, axis=-1))
    return jnp.stack(paths)

if __name__ == "__main__":
    import jax
    _d = setup_inputs()
    print(jax.jit(kernel)(*tuple(_d.values())))

</pallas_src>

<mosaic_0001>
#map = affine_map<(d0, d1) -> (0, 0)>
#map1 = affine_map<(d0, d1) -> (0, 0, 0)>
module attributes {stable_mosaic.version = 14 : i64} {
  func.func @_gather_walk_stage(%arg0: i32, %arg1: i32, %arg2: memref<100000x64xf32, #tpu.memory_space<hbm>>, %arg3: memref<2x32768xi32, #tpu.memory_space<hbm>>, %arg4: memref<2x32768xi32, #tpu.memory_space<hbm>>, %arg5: memref<2x32768xi32, #tpu.memory_space<hbm>>, %arg6: memref<2x32768x64xf32, #tpu.memory_space<hbm>>, %arg7: memref<2x32768xi32, #tpu.memory_space<hbm>>, %arg8: memref<1024xi32, #tpu.memory_space<vmem>>, %arg9: memref<1024xi32, #tpu.memory_space<vmem>>, %arg10: memref<1024xi32, #tpu.memory_space<vmem>>, %arg11: memref<1024xi32, #tpu.memory_space<vmem>>, %arg12: memref<1024xi32, #tpu.memory_space<vmem>>, %arg13: memref<1024x64xf32, #tpu.memory_space<vmem>>, %arg14: memref<!tpu.dma_semaphore, #tpu.memory_space<semaphore_mem>>) attributes {dimension_semantics = [#tpu.dimension_semantics<core_parallel>, #tpu.dimension_semantics<subcore_parallel>], iteration_bounds = array<i64: 2, 16>, scalar_prefetch = 0 : i64, scratch_operands = 7 : i64, tpu.core_type = #tpu.core_type<sc_vector_subcore>, window_params = [{transform_indices = #map}, {transform_indices = #map}, {transform_indices = #map}, {transform_indices = #map}, {transform_indices = #map1}, {transform_indices = #map}]} {
    %mul3A = arith.constant 2 : i32
    %mul3A_0 = arith.muli %arg1, %mul3A : i32
    %add3A = arith.addi %mul3A_0, %arg0 : i32
    %mul3A_1 = arith.constant 1024 : i32
    %mul3A_2 = arith.muli %add3A, %mul3A_1 : i32
    %run_scoped3A = arith.constant 0 : i32
    "tpu.region"() ({
      %run_scoped3A_277 = tpu.sem_alloc : memref<!tpu.dma_semaphore, #tpu.memory_space<semaphore_mem>>
      %dma_start3A_278 = tpu.memref_slice %arg3[%run_scoped3A, %mul3A_2] : memref<2x32768xi32, #tpu.memory_space<hbm>> -> memref<1x1024xi32, #tpu.memory_space<hbm>>
      %dma_start3A_279 = tpu.memref_squeeze %dma_start3A_278 : memref<1x1024xi32, #tpu.memory_space<hbm>> -> memref<1024xi32, #tpu.memory_space<hbm>>
      %dma_start3A_280 = tpu.memref_slice %arg3[%run_scoped3A, %mul3A_2] : memref<2x32768xi32, #tpu.memory_space<hbm>> -> memref<1x1024xi32, #tpu.memory_space<hbm>>
      %dma_start3A_281 = tpu.memref_squeeze %dma_start3A_280 : memref<1x1024xi32, #tpu.memory_space<hbm>> -> memref<1024xi32, #tpu.memory_space<hbm>>
      tpu.enqueue_dma source(%dma_start3A_281 : memref<1024xi32, #tpu.memory_space<hbm>>) target(%arg8 : memref<1024xi32, #tpu.memory_space<vmem>>) target_semaphore(%run_scoped3A_277 : memref<!tpu.dma_semaphore, #tpu.memory_space<semaphore_mem>>)
      %dma_wait3A_282 = tpu.memref_slice %arg3[%run_scoped3A, %mul3A_2] : memref<2x32768xi32, #tpu.memory_space<hbm>> -> memref<1x1024xi32, #tpu.memory_space<hbm>>
      %dma_wait3A_283 = tpu.memref_squeeze %dma_wait3A_282 : memref<1x1024xi32, #tpu.memory_space<hbm>> -> memref<1024xi32, #tpu.memory_space<hbm>>
      %dma_wait3A_284 = tpu.memref_slice %arg3[%run_scoped3A, %mul3A_2] : memref<2x32768xi32, #tpu.memory_space<hbm>> -> memref<1x1024xi32, #tpu.memory_space<hbm>>
      %dma_wait3A_285 = tpu.memref_squeeze %dma_wait3A_284 : memref<1x1024xi32, #tpu.memory_space<hbm>> -> memref<1024xi32, #tpu.memory_space<hbm>>
      tpu.wait_dma2 semaphore(%run_scoped3A_277 : memref<!tpu.dma_semaphore, #tpu.memory_space<semaphore_mem>>) src(%dma_wait3A_285 : memref<1024xi32, #tpu.memory_space<hbm>>) dst(%arg8 : memref<1024xi32, #tpu.memory_space<vmem>>)
      tpu.yield
    }) : () -> ()
    %run_scoped3A_3 = arith.constant 0 : i32
    "tpu.region"() ({
      %run_scoped3A_277 = tpu.sem_alloc : memref<!tpu.dma_semaphore, #tpu.memory_space<semaphore_mem>>
      %dma_start3A_278 = tpu.memref_slice %arg4[%run_scoped3A_3, %mul3A_2] : memref<2x32768xi32, #tpu.memory_space<hbm>> -> memref<1x1024xi32, #tpu.memory_space<hbm>>
      %dma_start3A_279 = tpu.memref_squeeze %dma_start3A_278 : memref<1x1024xi32, #tpu.memory_space<hbm>> -> memref<1024xi32, #tpu.memory_space<hbm>>
      %dma_start3A_280 = tpu.memref_slice %arg4[%run_scoped3A_3, %mul3A_2] : memref<2x32768xi32, #tpu.memory_space<hbm>> -> memref<1x1024xi32, #tpu.memory_space<hbm>>
      %dma_start3A_281 = tpu.memref_squeeze %dma_start3A_280 : memref<1x1024xi32, #tpu.memory_space<hbm>> -> memref<1024xi32, #tpu.memory_space<hbm>>
      tpu.enqueue_dma source(%dma_start3A_281 : memref<1024xi32, #tpu.memory_space<hbm>>) target(%arg9 : memref<1024xi32, #tpu.memory_space<vmem>>) target_semaphore(%run_scoped3A_277 : memref<!tpu.dma_semaphore, #tpu.memory_space<semaphore_mem>>)
      %dma_wait3A_282 = tpu.memref_slice %arg4[%run_scoped3A_3, %mul3A_2] : memref<2x32768xi32, #tpu.memory_space<hbm>> -> memref<1x1024xi32, #tpu.memory_space<hbm>>
      %dma_wait3A_283 = tpu.memref_squeeze %dma_wait3A_282 : memref<1x1024xi32, #tpu.memory_space<hbm>> -> memref<1024xi32, #tpu.memory_space<hbm>>
      %dma_wait3A_284 = tpu.memref_slice %arg4[%run_scoped3A_3, %mul3A_2] : memref<2x32768xi32, #tpu.memory_space<hbm>> -> memref<1x1024xi32, #tpu.memory_space<hbm>>
      %dma_wait3A_285 = tpu.memref_squeeze %dma_wait3A_284 : memref<1x1024xi32, #tpu.memory_space<hbm>> -> memref<1024xi32, #tpu.memory_space<hbm>>
      tpu.wait_dma2 semaphore(%run_scoped3A_277 : memref<!tpu.dma_semaphore, #tpu.memory_space<semaphore_mem>>) src(%dma_wait3A_285 : memref<1024xi32, #tpu.memory_space<hbm>>) dst(%arg9 : memref<1024xi32, #tpu.memory_space<vmem>>)
      tpu.yield
    }) : () -> ()
    %run_scoped3A_4 = arith.constant 0 : i32
    "tpu.region"() ({
      %run_scoped3A_277 = tpu.sem_alloc : memref<!tpu.dma_semaphore, #tpu.memory_space<semaphore_mem>>
      %dma_start3A_278 = tpu.memref_slice %arg5[%run_scoped3A_4, %mul3A_2] : memref<2x32768xi32, #tpu.memory_space<hbm>> -> memref<1x1024xi32, #tpu.memory_space<hbm>>
      %dma_start3A_279 = tpu.memref_squeeze %dma_start3A_278 : memref<1x1024xi32, #tpu.memory_space<hbm>> -> memref<1024xi32, #tpu.memory_space<hbm>>
      %dma_start3A_280 = tpu.memref_slice %arg5[%run_scoped3A_4, %mul3A_2] : memref<2x32768xi32, #tpu.memory_space<hbm>> -> memref<1x1024xi32, #tpu.memory_space<hbm>>
      %dma_start3A_281 = tpu.memref_squeeze %dma_start3A_280 : memref<1x1024xi32, #tpu.memory_space<hbm>> -> memref<1024xi32, #tpu.memory_space<hbm>>
      tpu.enqueue_dma source(%dma_start3A_281 : memref<1024xi32, #tpu.memory_space<hbm>>) target(%arg10 : memref<1024xi32, #tpu.memory_space<vmem>>) target_semaphore(%run_scoped3A_277 : memref<!tpu.dma_semaphore, #tpu.memory_space<semaphore_mem>>)
      %dma_wait3A_282 = tpu.memref_slice %arg5[%run_scoped3A_4, %mul3A_2] : memref<2x32768xi32, #tpu.memory_space<hbm>> -> memref<1x1024xi32, #tpu.memory_space<hbm>>
      %dma_wait3A_283 = tpu.memref_squeeze %dma_wait3A_282 : memref<1x1024xi32, #tpu.memory_space<hbm>> -> memref<1024xi32, #tpu.memory_space<hbm>>
      %dma_wait3A_284 = tpu.memref_slice %arg5[%run_scoped3A_4, %mul3A_2] : memref<2x32768xi32, #tpu.memory_space<hbm>> -> memref<1x1024xi32, #tpu.memory_space<hbm>>
      %dma_wait3A_285 = tpu.memref_squeeze %dma_wait3A_284 : memref<1x1024xi32, #tpu.memory_space<hbm>> -> memref<1024xi32, #tpu.memory_space<hbm>>
      tpu.wait_dma2 semaphore(%run_scoped3A_277 : memref<!tpu.dma_semaphore, #tpu.memory_space<semaphore_mem>>) src(%dma_wait3A_285 : memref<1024xi32, #tpu.memory_space<hbm>>) dst(%arg10 : memref<1024xi32, #tpu.memory_space<vmem>>)
      tpu.yield
    }) : () -> ()
    %scan3A = arith.constant 0 : i32
    %scan3A_5 = arith.constant 0 : i32
    %scan3A_6 = arith.constant 64 : i32
    %scan3A_7 = arith.addi %scan3A_5, %scan3A_6 : i32
    %scan3A_8 = arith.constant 1 : i32
    scf.for %scan3A_277 = %scan3A_5 to %scan3A_7 step %scan3A_8  : i32 {
      %mul3A_278 = arith.constant 16 : i32
      %mul3A_279 = arith.muli %scan3A_277, %mul3A_278 : i32
      %get3A = arith.index_cast %mul3A_279 : i32 to index
      %get3A_280 = tpu.vector_load %arg8[%get3A] {strides = array<i32>} : memref<1024xi32, #tpu.memory_space<vmem>>, vector<16xi32>,
      %min3A = arith.constant 99999 : i32
      %min3A_281 = vector.broadcast %min3A : i32 to vector<16xi32>
      %min3A_282 = arith.minsi %get3A_280, %min3A_281 : vector<16xi32>
      %swap3A = arith.index_cast %mul3A_279 : i32 to index
      %swap3A_283 = tpu.vector_load %arg11[%swap3A] {strides = array<i32>} : memref<1024xi32, #tpu.memory_space<vmem>>, vector<16xi32>,
      tpu.vector_store %arg11[%swap3A], %min3A_282 {strides = array<i32>} : memref<1024xi32, #tpu.memory_space<vmem>>, vector<16xi32>,
      %get3A_284 = arith.index_cast %mul3A_279 : i32 to index
      %get3A_285 = tpu.vector_load %arg9[%get3A_284] {strides = array<i32>} : memref<1024xi32, #tpu.memory_space<vmem>>, vector<16xi32>,
      %mul3A_286 = arith.constant 16 : i32
      %mul3A_287 = vector.broadcast %mul3A_286 : i32 to vector<16xi32>
      %mul3A_288 = arith.muli %get3A_285, %mul3A_287 : vector<16xi32>
      %get3A_289 = arith.index_cast %mul3A_279 : i32 to index
      %get3A_290 = tpu.vector_load %arg10[%get3A_289] {strides = array<i32>} : memref<1024xi32, #tpu.memory_space<vmem>>, vector<16xi32>,
      %add3A_291 = arith.addi %mul3A_288, %get3A_290 : vector<16xi32>
      %ge3A = arith.constant 100000 : i32
      %ge3A_292 = vector.broadcast %ge3A : i32 to vector<16xi32>
      %ge3A_293 = arith.cmpi sge, %get3A_280, %ge3A_292 : vector<16xi32>
      %jit3A = arith.constant 256 : i32
      %broadcast_in_dim3A = vector.broadcast %jit3A : i32 to vector<16xi32>
      %select_n3A = arith.select %ge3A_293, %broadcast_in_dim3A, %add3A_291 : vector<16xi1>, vector<16xi32>
      %swap3A_294 = arith.index_cast %mul3A_279 : i32 to index
      %swap3A_295 = tpu.vector_load %arg12[%swap3A_294] {strides = array<i32>} : memref<1024xi32, #tpu.memory_space<vmem>>, vector<16xi32>,
      tpu.vector_store %arg12[%swap3A_294], %select_n3A {strides = array<i32>} : memref<1024xi32, #tpu.memory_space<vmem>>, vector<16xi32>,
    }
    %scan3A_9 = arith.constant 64 : i32
    %dma_start3A = arith.constant 0 : i32
    %dma_start3A_10 = arith.constant 0 : i32
    %dma_start3A_11 = tpu.memref_slice %arg13[%dma_start3A, %dma_start3A_10] : memref<1024x64xf32, #tpu.memory_space<vmem>> -> memref<128x64xf32, #tpu.memory_space<vmem>>
    %dma_start3A_12 = arith.constant 0 : i32
    %dma_start3A_13 = tpu.memref_slice %arg11[%dma_start3A_12] : memref<1024xi32, #tpu.memory_space<vmem>> -> memref<128xi32, #tpu.memory_space<vmem>>
    %dma_start3A_14 = arith.constant 0 : i32
    %dma_start3A_15 = arith.constant 0 : i32
    %dma_start3A_16 = tpu.memref_slice %arg2[%dma_start3A_14, %dma_start3A_15] : memref<100000x64xf32, #tpu.memory_space<hbm>> -> memref<100000x64xf32, #tpu.memory_space<hbm>>
    tpu.enqueue_indirect_dma source(%dma_start3A_16 : memref<100000x64xf32, #tpu.memory_space<hbm>>) target(%dma_start3A_11 : memref<128x64xf32, #tpu.memory_space<vmem>>) offsets(%dma_start3A_13 : memref<128xi32, #tpu.memory_space<vmem>>) semaphore(%arg14 : memref<!tpu.dma_semaphore, #tpu.memory_space<semaphore_mem>>)
    %dma_start3A_17 = arith.constant 128 : i32
    %dma_start3A_18 = arith.constant 0 : i32
    %dma_start3A_19 = tpu.memref_slice %arg13[%dma_start3A_17, %dma_start3A_18] : memref<1024x64xf32, #tpu.memory_space<vmem>> -> memref<128x64xf32, #tpu.memory_space<vmem>>
    %dma_start3A_20 = arith.constant 128 : i32
    %dma_start3A_21 = tpu.memref_slice %arg11[%dma_start3A_20] : memref<1024xi32, #tpu.memory_space<vmem>> -> memref<128xi32, #tpu.memory_space<vmem>>
    %dma_start3A_22 = arith.constant 0 : i32
    %dma_start3A_23 = arith.constant 0 : i32
    %dma_start3A_24 = tpu.memref_slice %arg2[%dma_start3A_22, %dma_start3A_23] : memref<100000x64xf32, #tpu.memory_space<hbm>> -> memref<100000x64xf32, #tpu.memory_space<hbm>>
    tpu.enqueue_indirect_dma source(%dma_start3A_24 : memref<100000x64xf32, #tpu.memory_space<hbm>>) target(%dma_start3A_19 : memref<128x64xf32, #tpu.memory_space<vmem>>) offsets(%dma_start3A_21 : memref<128xi32, #tpu.memory_space<vmem>>) semaphore(%arg14 : memref<!tpu.dma_semaphore, #tpu.memory_space<semaphore_mem>>)
    %dma_start3A_25 = arith.constant 256 : i32
    %dma_start3A_26 = arith.constant 0 : i32
    %dma_start3A_27 = tpu.memref_slice %arg13[%dma_start3A_25, %dma_start3A_26] : memref<1024x64xf32, #tpu.memory_space<vmem>> -> memref<128x64xf32, #tpu.memory_space<vmem>>
    %dma_start3A_28 = arith.constant 256 : i32
    %dma_start3A_29 = tpu.memref_slice %arg11[%dma_start3A_28] : memref<1024xi32, #tpu.memory_space<vmem>> -> memref<128xi32, #tpu.memory_space<vmem>>
    %dma_start3A_30 = arith.constant 0 : i32
    %dma_start3A_31 = arith.constant 0 : i32
    %dma_start3A_32 = tpu.memref_slice %arg2[%dma_start3A_30, %dma_start3A_31] : memref<100000x64xf32, #tpu.memory_space<hbm>> -> memref<100000x64xf32, #tpu.memory_space<hbm>>
    tpu.enqueue_indirect_dma source(%dma_start3A_32 : memref<100000x64xf32, #tpu.memory_space<hbm>>) target(%dma_start3A_27 : memref<128x64xf32, #tpu.memory_space<vmem>>) offsets(%dma_start3A_29 : memref<128xi32, #tpu.memory_space<vmem>>) semaphore(%arg14 : memref<!tpu.dma_semaphore, #tpu.memory_space<semaphore_mem>>)
    %dma_start3A_33 = arith.constant 384 : i32
    %dma_start3A_34 = arith.constant 0 : i32
    %dma_start3A_35 = tpu.memref_slice %arg13[%dma_start3A_33, %dma_start3A_34] : memref<1024x64xf32, #tpu.memory_space<vmem>> -> memref<128x64xf32, #tpu.memory_space<vmem>>
    %dma_start3A_36 = arith.constant 384 : i32
    %dma_start3A_37 = tpu.memref_slice %arg11[%dma_start3A_36] : memref<1024xi32, #tpu.memory_space<vmem>> -> memref<128xi32, #tpu.memory_space<vmem>>
    %dma_start3A_38 = arith.constant 0 : i32
    %dma_start3A_39 = arith.constant 0 : i32
    %dma_start3A_40 = tpu.memref_slice %arg2[%dma_start3A_38, %dma_start3A_39] : memref<100000x64xf32, #tpu.memory_space<hbm>> -> memref<100000x64xf32, #tpu.memory_space<hbm>>
    tpu.enqueue_indirect_dma source(%dma_start3A_40 : memref<100000x64xf32, #tpu.memory_space<hbm>>) target(%dma_start3A_35 : memref<128x64xf32, #tpu.memory_space<vmem>>) offsets(%dma_start3A_37 : memref<128xi32, #tpu.memory_space<vmem>>) semaphore(%arg14 : memref<!tpu.dma_semaphore, #tpu.memory_space<semaphore_mem>>)
    %dma_start3A_41 = arith.constant 512 : i32
    %dma_start3A_42 = arith.constant 0 : i32
    %dma_start3A_43 = tpu.memref_slice %arg13[%dma_start3A_41, %dma_start3A_42] : memref<1024x64xf32, #tpu.memory_space<vmem>> -> memref<128x64xf32, #tpu.memory_space<vmem>>
    %dma_start3A_44 = arith.constant 512 : i32
    %dma_start3A_45 = tpu.memref_slice %arg11[%dma_start3A_44] : memref<1024xi32, #tpu.memory_space<vmem>> -> memref<128xi32, #tpu.memory_space<vmem>>
    %dma_start3A_46 = arith.constant 0 : i32
    %dma_start3A_47 = arith.constant 0 : i32
    %dma_start3A_48 = tpu.memref_slice %arg2[%dma_start3A_46, %dma_start3A_47] : memref<100000x64xf32, #tpu.memory_space<hbm>> -> memref<100000x64xf32, #tpu.memory_space<hbm>>
    tpu.enqueue_indirect_dma source(%dma_start3A_48 : memref<100000x64xf32, #tpu.memory_space<hbm>>) target(%dma_start3A_43 : memref<128x64xf32, #tpu.memory_space<vmem>>) offsets(%dma_start3A_45 : memref<128xi32, #tpu.memory_space<vmem>>) semaphore(%arg14 : memref<!tpu.dma_semaphore, #tpu.memory_space<semaphore_mem>>)
    %dma_start3A_49 = arith.constant 640 : i32
    %dma_start3A_50 = arith.constant 0 : i32
    %dma_start3A_51 = tpu.memref_slice %arg13[%dma_start3A_49, %dma_start3A_50] : memref<1024x64xf32, #tpu.memory_space<vmem>> -> memref<128x64xf32, #tpu.memory_space<vmem>>
    %dma_start3A_52 = arith.constant 640 : i32
    %dma_start3A_53 = tpu.memref_slice %arg11[%dma_start3A_52] : memref<1024xi32, #tpu.memory_space<vmem>> -> memref<128xi32, #tpu.memory_space<vmem>>
    %dma_start3A_54 = arith.constant 0 : i32
    %dma_start3A_55 = arith.constant 0 : i32
    %dma_start3A_56 = tpu.memref_slice %arg2[%dma_start3A_54, %dma_start3A_55] : memref<100000x64xf32, #tpu.memory_space<hbm>> -> memref<100000x64xf32, #tpu.memory_space<hbm>>
    tpu.enqueue_indirect_dma source(%dma_start3A_56 : memref<100000x64xf32, #tpu.memory_space<hbm>>) target(%dma_start3A_51 : memref<128x64xf32, #tpu.memory_space<vmem>>) offsets(%dma_start3A_53 : memref<128xi32, #tpu.memory_space<vmem>>) semaphore(%arg14 : memref<!tpu.dma_semaphore, #tpu.memory_space<semaphore_mem>>)
    %dma_start3A_57 = arith.constant 768 : i32
    %dma_start3A_58 = arith.constant 0 : i32
    %dma_start3A_59 = tpu.memref_slice %arg13[%dma_start3A_57, %dma_start3A_58] : memref<1024x64xf32, #tpu.memory_space<vmem>> -> memref<128x64xf32, #tpu.memory_space<vmem>>
    %dma_start3A_60 = arith.constant 768 : i32
    %dma_start3A_61 = tpu.memref_slice %arg11[%dma_start3A_60] : memref<1024xi32, #tpu.memory_space<vmem>> -> memref<128xi32, #tpu.memory_space<vmem>>
    %dma_start3A_62 = arith.constant 0 : i32
    %dma_start3A_63 = arith.constant 0 : i32
    %dma_start3A_64 = tpu.memref_slice %arg2[%dma_start3A_62, %dma_start3A_63] : memref<100000x64xf32, #tpu.memory_space<hbm>> -> memref<100000x64xf32, #tpu.memory_space<hbm>>
    tpu.enqueue_indirect_dma source(%dma_start3A_64 : memref<100000x64xf32, #tpu.memory_space<hbm>>) target(%dma_start3A_59 : memref<128x64xf32, #tpu.memory_space<vmem>>) offsets(%dma_start3A_61 : memref<128xi32, #tpu.memory_space<vmem>>) semaphore(%arg14 : memref<!tpu.dma_semaphore, #tpu.memory_space<semaphore_mem>>)
    %dma_start3A_65 = arith.constant 896 : i32
    %dma_start3A_66 = arith.constant 0 : i32
    %dma_start3A_67 = tpu.memref_slice %arg13[%dma_start3A_65, %dma_start3A_66] : memref<1024x64xf32, #tpu.memory_space<vmem>> -> memref<128x64xf32, #tpu.memory_space<vmem>>
    %dma_start3A_68 = arith.constant 896 : i32
    %dma_start3A_69 = tpu.memref_slice %arg11[%dma_start3A_68] : memref<1024xi32, #tpu.memory_space<vmem>> -> memref<128xi32, #tpu.memory_space<vmem>>
    %dma_start3A_70 = arith.constant 0 : i32
    %dma_start3A_71 = arith.constant 0 : i32
    %dma_start3A_72 = tpu.memref_slice %arg2[%dma_start3A_70, %dma_start3A_71] : memref<100000x64xf32, #tpu.memory_space<hbm>> -> memref<100000x64xf32, #tpu.memory_space<hbm>>
    tpu.enqueue_indirect_dma source(%dma_start3A_72 : memref<100000x64xf32, #tpu.memory_space<hbm>>) target(%dma_start3A_67 : memref<128x64xf32, #tpu.memory_space<vmem>>) offsets(%dma_start3A_69 : memref<128xi32, #tpu.memory_space<vmem>>) semaphore(%arg14 : memref<!tpu.dma_semaphore, #tpu.memory_space<semaphore_mem>>)
    %run_scoped3A_73 = arith.constant 0 : i32
    "tpu.region"() ({
      %run_scoped3A_277 = tpu.sem_alloc : memref<!tpu.dma_semaphore, #tpu.memory_space<semaphore_mem>>
      %dma_start3A_278 = tpu.memref_slice %arg7[%run_scoped3A_73, %mul3A_2] : memref<2x32768xi32, #tpu.memory_space<hbm>> -> memref<1x1024xi32, #tpu.memory_space<hbm>>
      %dma_start3A_279 = tpu.memref_squeeze %dma_start3A_278 : memref<1x1024xi32, #tpu.memory_space<hbm>> -> memref<1024xi32, #tpu.memory_space<hbm>>
      %dma_start3A_280 = tpu.memref_slice %arg7[%run_scoped3A_73, %mul3A_2] : memref<2x32768xi32, #tpu.memory_space<hbm>> -> memref<1x1024xi32, #tpu.memory_space<hbm>>
      %dma_start3A_281 = tpu.memref_squeeze %dma_start3A_280 : memref<1x1024xi32, #tpu.memory_space<hbm>> -> memref<1024xi32, #tpu.memory_space<hbm>>
      tpu.enqueue_dma source(%arg12 : memref<1024xi32, #tpu.memory_space<vmem>>) target(%dma_start3A_281 : memref<1024xi32, #tpu.memory_space<hbm>>) target_semaphore(%run_scoped3A_277 : memref<!tpu.dma_semaphore, #tpu.memory_space<semaphore_mem>>)
      %dma_wait3A_282 = tpu.memref_slice %arg7[%run_scoped3A_73, %mul3A_2] : memref<2x32768xi32, #tpu.memory_space<hbm>> -> memref<1x1024xi32, #tpu.memory_space<hbm>>
      %dma_wait3A_283 = tpu.memref_squeeze %dma_wait3A_282 : memref<1x1024xi32, #tpu.memory_space<hbm>> -> memref<1024xi32, #tpu.memory_space<hbm>>
      %dma_wait3A_284 = tpu.memref_slice %arg7[%run_scoped3A_73, %mul3A_2] : memref<2x32768xi32, #tpu.memory_space<hbm>> -> memref<1x1024xi32, #tpu.memory_space<hbm>>
      %dma_wait3A_285 = tpu.memref_squeeze %dma_wait3A_284 : memref<1x1024xi32, #tpu.memory_space<hbm>> -> memref<1024xi32, #tpu.memory_space<hbm>>
      tpu.wait_dma2 semaphore(%run_scoped3A_277 : memref<!tpu.dma_semaphore, #tpu.memory_space<semaphore_mem>>) src(%arg12 : memref<1024xi32, #tpu.memory_space<vmem>>) dst(%dma_wait3A_285 : memref<1024xi32, #tpu.memory_space<hbm>>)
      tpu.yield
    }) : () -> ()
    %dma_wait3A = arith.constant 0 : i32
    %dma_wait3A_74 = arith.constant 0 : i32
    %dma_wait3A_75 = tpu.memref_slice %arg13[%dma_wait3A, %dma_wait3A_74] : memref<1024x64xf32, #tpu.memory_space<vmem>> -> memref<128x64xf32, #tpu.memory_space<vmem>>
    %dma_wait3A_76 = arith.constant 0 : i32
    %dma_wait3A_77 = tpu.memref_slice %arg11[%dma_wait3A_76] : memref<1024xi32, #tpu.memory_space<vmem>> -> memref<128xi32, #tpu.memory_space<vmem>>
    %dma_wait3A_78 = arith.constant 0 : i32
    %dma_wait3A_79 = arith.constant 0 : i32
    %dma_wait3A_80 = tpu.memref_slice %arg2[%dma_wait3A_78, %dma_wait3A_79] : memref<100000x64xf32, #tpu.memory_space<hbm>> -> memref<100000x64xf32, #tpu.memory_space<hbm>>
    tpu.wait_indirect_dma semaphore(%arg14 : memref<!tpu.dma_semaphore, #tpu.memory_space<semaphore_mem>>) src(%dma_wait3A_80 : memref<100000x64xf32, #tpu.memory_space<hbm>>) dst(%dma_wait3A_75 : memref<128x64xf32, #tpu.memory_space<vmem>>)
    %dma_wait3A_81 = arith.constant 128 : i32
    %dma_wait3A_82 = arith.constant 0 : i32
    %dma_wait3A_83 = tpu.memref_slice %arg13[%dma_wait3A_81, %dma_wait3A_82] : memref<1024x64xf32, #tpu.memory_space<vmem>> -> memref<128x64xf32, #tpu.memory_space<vmem>>
    %dma_wait3A_84 = arith.constant 128 : i32
    %dma_wait3A_85 = tpu.memref_slice %arg11[%dma_wait3A_84] : memref<1024xi32, #tpu.memory_space<vmem>> -> memref<128xi32, #tpu.memory_space<vmem>>
    %dma_wait3A_86 = arith.constant 0 : i32
    %dma_wait3A_87 = arith.constant 0 : i32
    %dma_wait3A_88 = tpu.memref_slice %arg2[%dma_wait3A_86, %dma_wait3A_87] : memref<100000x64xf32, #tpu.memory_space<hbm>> -> memref<100000x64xf32, #tpu.memory_space<hbm>>
    tpu.wait_indirect_dma semaphore(%arg14 : memref<!tpu.dma_semaphore, #tpu.memory_space<semaphore_mem>>) src(%dma_wait3A_88 : memref<100000x64xf32, #tpu.memory_space<hbm>>) dst(%dma_wait3A_83 : memref<128x64xf32, #tpu.memory_space<vmem>>)
    %dma_wait3A_89 = arith.constant 256 : i32
    %dma_wait3A_90 = arith.constant 0 : i32
    %dma_wait3A_91 = tpu.memref_slice %arg13[%dma_wait3A_89, %dma_wait3A_90] : memref<1024x64xf32, #tpu.memory_space<vmem>> -> memref<128x64xf32, #tpu.memory_space<vmem>>
    %dma_wait3A_92 = arith.constant 256 : i32
    %dma_wait3A_93 = tpu.memref_slice %arg11[%dma_wait3A_92] : memref<1024xi32, #tpu.memory_space<vmem>> -> memref<128xi32, #tpu.memory_space<vmem>>
    %dma_wait3A_94 = arith.constant 0 : i32
    %dma_wait3A_95 = arith.constant 0 : i32
    %dma_wait3A_96 = tpu.memref_slice %arg2[%dma_wait3A_94, %dma_wait3A_95] : memref<100000x64xf32, #tpu.memory_space<hbm>> -> memref<100000x64xf32, #tpu.memory_space<hbm>>
    tpu.wait_indirect_dma semaphore(%arg14 : memref<!tpu.dma_semaphore, #tpu.memory_space<semaphore_mem>>) src(%dma_wait3A_96 : memref<100000x64xf32, #tpu.memory_space<hbm>>) dst(%dma_wait3A_91 : memref<128x64xf32, #tpu.memory_space<vmem>>)
    %dma_wait3A_97 = arith.constant 384 : i32
    %dma_wait3A_98 = arith.constant 0 : i32
    %dma_wait3A_99 = tpu.memref_slice %arg13[%dma_wait3A_97, %dma_wait3A_98] : memref<1024x64xf32, #tpu.memory_space<vmem>> -> memref<128x64xf32, #tpu.memory_space<vmem>>
    %dma_wait3A_100 = arith.constant 384 : i32
    %dma_wait3A_101 = tpu.memref_slice %arg11[%dma_wait3A_100] : memref<1024xi32, #tpu.memory_space<vmem>> -> memref<128xi32, #tpu.memory_space<vmem>>
    %dma_wait3A_102 = arith.constant 0 : i32
    %dma_wait3A_103 = arith.constant 0 : i32
    %dma_wait3A_104 = tpu.memref_slice %arg2[%dma_wait3A_102, %dma_wait3A_103] : memref<100000x64xf32, #tpu.memory_space<hbm>> -> memref<100000x64xf32, #tpu.memory_space<hbm>>
    tpu.wait_indirect_dma semaphore(%arg14 : memref<!tpu.dma_semaphore, #tpu.memory_space<semaphore_mem>>) src(%dma_wait3A_104 : memref<100000x64xf32, #tpu.memory_space<hbm>>) dst(%dma_wait3A_99 : memref<128x64xf32, #tpu.memory_space<vmem>>)
    %dma_wait3A_105 = arith.constant 512 : i32
    %dma_wait3A_106 = arith.constant 0 : i32
    %dma_wait3A_107 = tpu.memref_slice %arg13[%dma_wait3A_105, %dma_wait3A_106] : memref<1024x64xf32, #tpu.memory_space<vmem>> -> memref<128x64xf32, #tpu.memory_space<vmem>>
    %dma_wait3A_108 = arith.constant 512 : i32
    %dma_wait3A_109 = tpu.memref_slice %arg11[%dma_wait3A_108] : memref<1024xi32, #tpu.memory_space<vmem>> -> memref<128xi32, #tpu.memory_space<vmem>>
    %dma_wait3A_110 = arith.constant 0 : i32
    %dma_wait3A_111 = arith.constant 0 : i32
    %dma_wait3A_112 = tpu.memref_slice %arg2[%dma_wait3A_110, %dma_wait3A_111] : memref<100000x64xf32, #tpu.memory_space<hbm>> -> memref<100000x64xf32, #tpu.memory_space<hbm>>
    tpu.wait_indirect_dma semaphore(%arg14 : memref<!tpu.dma_semaphore, #tpu.memory_space<semaphore_mem>>) src(%dma_wait3A_112 : memref<100000x64xf32, #tpu.memory_space<hbm>>) dst(%dma_wait3A_107 : memref<128x64xf32, #tpu.memory_space<vmem>>)
    %dma_wait3A_113 = arith.constant 640 : i32
    %dma_wait3A_114 = arith.constant 0 : i32
    %dma_wait3A_115 = tpu.memref_slice %arg13[%dma_wait3A_113, %dma_wait3A_114] : memref<1024x64xf32, #tpu.memory_space<vmem>> -> memref<128x64xf32, #tpu.memory_space<vmem>>
    %dma_wait3A_116 = arith.constant 640 : i32
    %dma_wait3A_117 = tpu.memref_slice %arg11[%dma_wait3A_116] : memref<1024xi32, #tpu.memory_space<vmem>> -> memref<128xi32, #tpu.memory_space<vmem>>
    %dma_wait3A_118 = arith.constant 0 : i32
    %dma_wait3A_119 = arith.constant 0 : i32
    %dma_wait3A_120 = tpu.memref_slice %arg2[%dma_wait3A_118, %dma_wait3A_119] : memref<100000x64xf32, #tpu.memory_space<hbm>> -> memref<100000x64xf32, #tpu.memory_space<hbm>>
    tpu.wait_indirect_dma semaphore(%arg14 : memref<!tpu.dma_semaphore, #tpu.memory_space<semaphore_mem>>) src(%dma_wait3A_120 : memref<100000x64xf32, #tpu.memory_space<hbm>>) dst(%dma_wait3A_115 : memref<128x64xf32, #tpu.memory_space<vmem>>)
    %dma_wait3A_121 = arith.constant 768 : i32
    %dma_wait3A_122 = arith.constant 0 : i32
    %dma_wait3A_123 = tpu.memref_slice %arg13[%dma_wait3A_121, %dma_wait3A_122] : memref<1024x64xf32, #tpu.memory_space<vmem>> -> memref<128x64xf32, #tpu.memory_space<vmem>>
    %dma_wait3A_124 = arith.constant 768 : i32
    %dma_wait3A_125 = tpu.memref_slice %arg11[%dma_wait3A_124] : memref<1024xi32, #tpu.memory_space<vmem>> -> memref<128xi32, #tpu.memory_space<vmem>>
    %dma_wait3A_126 = arith.constant 0 : i32
    %dma_wait3A_127 = arith.constant 0 : i32
    %dma_wait3A_128 = tpu.memref_slice %arg2[%dma_wait3A_126, %dma_wait3A_127] : memref<100000x64xf32, #tpu.memory_space<hbm>> -> memref<100000x64xf32, #tpu.memory_space<hbm>>
    tpu.wait_indirect_dma semaphore(%arg14 : memref<!tpu.dma_semaphore, #tpu.memory_space<semaphore_mem>>) src(%dma_wait3A_128 : memref<100000x64xf32, #tpu.memory_space<hbm>>) dst(%dma_wait3A_123 : memref<128x64xf32, #tpu.memory_space<vmem>>)
    %dma_wait3A_129 = arith.constant 896 : i32
    %dma_wait3A_130 = arith.constant 0 : i32
    %dma_wait3A_131 = tpu.memref_slice %arg13[%dma_wait3A_129, %dma_wait3A_130] : memref<1024x64xf32, #tpu.memory_space<vmem>> -> memref<128x64xf32, #tpu.memory_space<vmem>>
    %dma_wait3A_132 = arith.constant 896 : i32
    %dma_wait3A_133 = tpu.memref_slice %arg11[%dma_wait3A_132] : memref<1024xi32, #tpu.memory_space<vmem>> -> memref<128xi32, #tpu.memory_space<vmem>>
    %dma_wait3A_134 = arith.constant 0 : i32
    %dma_wait3A_135 = arith.constant 0 : i32
    %dma_wait3A_136 = tpu.memref_slice %arg2[%dma_wait3A_134, %dma_wait3A_135] : memref<100000x64xf32, #tpu.memory_space<hbm>> -> memref<100000x64xf32, #tpu.memory_space<hbm>>
    tpu.wait_indirect_dma semaphore(%arg14 : memref<!tpu.dma_semaphore, #tpu.memory_space<semaphore_mem>>) src(%dma_wait3A_136 : memref<100000x64xf32, #tpu.memory_space<hbm>>) dst(%dma_wait3A_131 : memref<128x64xf32, #tpu.memory_space<vmem>>)
    %run_scoped3A_137 = arith.constant 0 : i32
    "tpu.region"() ({
      %run_scoped3A_277 = tpu.sem_alloc : memref<!tpu.dma_semaphore, #tpu.memory_space<semaphore_mem>>
      %dma_start3A_278 = arith.constant 0 : i32
      %dma_start3A_279 = tpu.memref_slice %arg6[%run_scoped3A_137, %mul3A_2, %dma_start3A_278] : memref<2x32768x64xf32, #tpu.memory_space<hbm>> -> memref<1x1024x64xf32, #tpu.memory_space<hbm>>
      %dma_start3A_280 = tpu.memref_squeeze %dma_start3A_279 : memref<1x1024x64xf32, #tpu.memory_space<hbm>> -> memref<1024x64xf32, #tpu.memory_space<hbm>>
      %dma_start3A_281 = arith.constant 0 : i32
      %dma_start3A_282 = tpu.memref_slice %arg6[%run_scoped3A_137, %mul3A_2, %dma_start3A_281] : memref<2x32768x64xf32, #tpu.memory_space<hbm>> -> memref<1x1024x64xf32, #tpu.memory_space<hbm>>
      %dma_start3A_283 = tpu.memref_squeeze %dma_start3A_282 : memref<1x1024x64xf32, #tpu.memory_space<hbm>> -> memref<1024x64xf32, #tpu.memory_space<hbm>>
      tpu.enqueue_dma source(%arg13 : memref<1024x64xf32, #tpu.memory_space<vmem>>) target(%dma_start3A_283 : memref<1024x64xf32, #tpu.memory_space<hbm>>) target_semaphore(%run_scoped3A_277 : memref<!tpu.dma_semaphore, #tpu.memory_space<semaphore_mem>>)
      %dma_wait3A_284 = arith.constant 0 : i32
      %dma_wait3A_285 = tpu.memref_slice %arg6[%run_scoped3A_137, %mul3A_2, %dma_wait3A_284] : memref<2x32768x64xf32, #tpu.memory_space<hbm>> -> memref<1x1024x64xf32, #tpu.memory_space<hbm>>
      %dma_wait3A_286 = tpu.memref_squeeze %dma_wait3A_285 : memref<1x1024x64xf32, #tpu.memory_space<hbm>> -> memref<1024x64xf32, #tpu.memory_space<hbm>>
      %dma_wait3A_287 = arith.constant 0 : i32
      %dma_wait3A_288 = tpu.memref_slice %arg6[%run_scoped3A_137, %mul3A_2, %dma_wait3A_287] : memref<2x32768x64xf32, #tpu.memory_space<hbm>> -> memref<1x1024x64xf32, #tpu.memory_space<hbm>>
      %dma_wait3A_289 = tpu.memref_squeeze %dma_wait3A_288 : memref<1x1024x64xf32, #tpu.memory_space<hbm>> -> memref<1024x64xf32, #tpu.memory_space<hbm>>
      tpu.wait_dma2 semaphore(%run_scoped3A_277 : memref<!tpu.dma_semaphore, #tpu.memory_space<semaphore_mem>>) src(%arg13 : memref<1024x64xf32, #tpu.memory_space<vmem>>) dst(%dma_wait3A_289 : memref<1024x64xf32, #tpu.memory_space<hbm>>)
      tpu.yield
    }) : () -> ()
    %run_scoped3A_138 = arith.constant 1 : i32
    "tpu.region"() ({
      %run_scoped3A_277 = tpu.sem_alloc : memref<!tpu.dma_semaphore, #tpu.memory_space<semaphore_mem>>
      %dma_start3A_278 = tpu.memref_slice %arg3[%run_scoped3A_138, %mul3A_2] : memref<2x32768xi32, #tpu.memory_space<hbm>> -> memref<1x1024xi32, #tpu.memory_space<hbm>>
      %dma_start3A_279 = tpu.memref_squeeze %dma_start3A_278 : memref<1x1024xi32, #tpu.memory_space<hbm>> -> memref<1024xi32, #tpu.memory_space<hbm>>
      %dma_start3A_280 = tpu.memref_slice %arg3[%run_scoped3A_138, %mul3A_2] : memref<2x32768xi32, #tpu.memory_space<hbm>> -> memref<1x1024xi32, #tpu.memory_space<hbm>>
      %dma_start3A_281 = tpu.memref_squeeze %dma_start3A_280 : memref<1x1024xi32, #tpu.memory_space<hbm>> -> memref<1024xi32, #tpu.memory_space<hbm>>
      tpu.enqueue_dma source(%dma_start3A_281 : memref<1024xi32, #tpu.memory_space<hbm>>) target(%arg8 : memref<1024xi32, #tpu.memory_space<vmem>>) target_semaphore(%run_scoped3A_277 : memref<!tpu.dma_semaphore, #tpu.memory_space<semaphore_mem>>)
      %dma_wait3A_282 = tpu.memref_slice %arg3[%run_scoped3A_138, %mul3A_2] : memref<2x32768xi32, #tpu.memory_space<hbm>> -> memref<1x1024xi32, #tpu.memory_space<hbm>>
      %dma_wait3A_283 = tpu.memref_squeeze %dma_wait3A_282 : memref<1x1024xi32, #tpu.memory_space<hbm>> -> memref<1024xi32, #tpu.memory_space<hbm>>
      %dma_wait3A_284 = tpu.memref_slice %arg3[%run_scoped3A_138, %mul3A_2] : memref<2x32768xi32, #tpu.memory_space<hbm>> -> memref<1x1024xi32, #tpu.memory_space<hbm>>
      %dma_wait3A_285 = tpu.memref_squeeze %dma_wait3A_284 : memref<1x1024xi32, #tpu.memory_space<hbm>> -> memref<1024xi32, #tpu.memory_space<hbm>>
      tpu.wait_dma2 semaphore(%run_scoped3A_277 : memref<!tpu.dma_semaphore, #tpu.memory_space<semaphore_mem>>) src(%dma_wait3A_285 : memref<1024xi32, #tpu.memory_space<hbm>>) dst(%arg8 : memref<1024xi32, #tpu.memory_space<vmem>>)
      tpu.yield
    }) : () -> ()
    %run_scoped3A_139 = arith.constant 1 : i32
    "tpu.region"() ({
      %run_scoped3A_277 = tpu.sem_alloc : memref<!tpu.dma_semaphore, #tpu.memory_space<semaphore_mem>>
      %dma_start3A_278 = tpu.memref_slice %arg4[%run_scoped3A_139, %mul3A_2] : memref<2x32768xi32, #tpu.memory_space<hbm>> -> memref<1x1024xi32, #tpu.memory_space<hbm>>
      %dma_start3A_279 = tpu.memref_squeeze %dma_start3A_278 : memref<1x1024xi32, #tpu.memory_space<hbm>> -> memref<1024xi32, #tpu.memory_space<hbm>>
      %dma_start3A_280 = tpu.memref_slice %arg4[%run_scoped3A_139, %mul3A_2] : memref<2x32768xi32, #tpu.memory_space<hbm>> -> memref<1x1024xi32, #tpu.memory_space<hbm>>
      %dma_start3A_281 = tpu.memref_squeeze %dma_start3A_280 : memref<1x1024xi32, #tpu.memory_space<hbm>> -> memref<1024xi32, #tpu.memory_space<hbm>>
      tpu.enqueue_dma source(%dma_start3A_281 : memref<1024xi32, #tpu.memory_space<hbm>>) target(%arg9 : memref<1024xi32, #tpu.memory_space<vmem>>) target_semaphore(%run_scoped3A_277 : memref<!tpu.dma_semaphore, #tpu.memory_space<semaphore_mem>>)
      %dma_wait3A_282 = tpu.memref_slice %arg4[%run_scoped3A_139, %mul3A_2] : memref<2x32768xi32, #tpu.memory_space<hbm>> -> memref<1x1024xi32, #tpu.memory_space<hbm>>
      %dma_wait3A_283 = tpu.memref_squeeze %dma_wait3A_282 : memref<1x1024xi32, #tpu.memory_space<hbm>> -> memref<1024xi32, #tpu.memory_space<hbm>>
      %dma_wait3A_284 = tpu.memref_slice %arg4[%run_scoped3A_139, %mul3A_2] : memref<2x32768xi32, #tpu.memory_space<hbm>> -> memref<1x1024xi32, #tpu.memory_space<hbm>>
      %dma_wait3A_285 = tpu.memref_squeeze %dma_wait3A_284 : memref<1x1024xi32, #tpu.memory_space<hbm>> -> memref<1024xi32, #tpu.memory_space<hbm>>
      tpu.wait_dma2 semaphore(%run_scoped3A_277 : memref<!tpu.dma_semaphore, #tpu.memory_space<semaphore_mem>>) src(%dma_wait3A_285 : memref<1024xi32, #tpu.memory_space<hbm>>) dst(%arg9 : memref<1024xi32, #tpu.memory_space<vmem>>)
      tpu.yield
    }) : () -> ()
    %run_scoped3A_140 = arith.constant 1 : i32
    "tpu.region"() ({
      %run_scoped3A_277 = tpu.sem_alloc : memref<!tpu.dma_semaphore, #tpu.memory_space<semaphore_mem>>
      %dma_start3A_278 = tpu.memref_slice %arg5[%run_scoped3A_140, %mul3A_2] : memref<2x32768xi32, #tpu.memory_space<hbm>> -> memref<1x1024xi32, #tpu.memory_space<hbm>>
      %dma_start3A_279 = tpu.memref_squeeze %dma_start3A_278 : memref<1x1024xi32, #tpu.memory_space<hbm>> -> memref<1024xi32, #tpu.memory_space<hbm>>
      %dma_start3A_280 = tpu.memref_slice %arg5[%run_scoped3A_140, %mul3A_2] : memref<2x32768xi32, #tpu.memory_space<hbm>> -> memref<1x1024xi32, #tpu.memory_space<hbm>>
      %dma_start3A_281 = tpu.memref_squeeze %dma_start3A_280 : memref<1x1024xi32, #tpu.memory_space<hbm>> -> memref<1024xi32, #tpu.memory_space<hbm>>
      tpu.enqueue_dma source(%dma_start3A_281 : memref<1024xi32, #tpu.memory_space<hbm>>) target(%arg10 : memref<1024xi32, #tpu.memory_space<vmem>>) target_semaphore(%run_scoped3A_277 : memref<!tpu.dma_semaphore, #tpu.memory_space<semaphore_mem>>)
      %dma_wait3A_282 = tpu.memref_slice %arg5[%run_scoped3A_140, %mul3A_2] : memref<2x32768xi32, #tpu.memory_space<hbm>> -> memref<1x1024xi32, #tpu.memory_space<hbm>>
      %dma_wait3A_283 = tpu.memref_squeeze %dma_wait3A_282 : memref<1x1024xi32, #tpu.memory_space<hbm>> -> memref<1024xi32, #tpu.memory_space<hbm>>
      %dma_wait3A_284 = tpu.memref_slice %arg5[%run_scoped3A_140, %mul3A_2] : memref<2x32768xi32, #tpu.memory_space<hbm>> -> memref<1x1024xi32, #tpu.memory_space<hbm>>
      %dma_wait3A_285 = tpu.memref_squeeze %dma_wait3A_284 : memref<1x1024xi32, #tpu.memory_space<hbm>> -> memref<1024xi32, #tpu.memory_space<hbm>>
      tpu.wait_dma2 semaphore(%run_scoped3A_277 : memref<!tpu.dma_semaphore, #tpu.memory_space<semaphore_mem>>) src(%dma_wait3A_285 : memref<1024xi32, #tpu.memory_space<hbm>>) dst(%arg10 : memref<1024xi32, #tpu.memory_space<vmem>>)
      tpu.yield
    }) : () -> ()
    %scan3A_141 = arith.constant 0 : i32
    %scan3A_142 = arith.constant 0 : i32
    %scan3A_143 = arith.constant 64 : i32
    %scan3A_144 = arith.addi %scan3A_142, %scan3A_143 : i32
    %scan3A_145 = arith.constant 1 : i32
    scf.for %scan3A_277 = %scan3A_142 to %scan3A_144 step %scan3A_145  : i32 {
      %mul3A_278 = arith.constant 16 : i32
      %mul3A_279 = arith.muli %scan3A_277, %mul3A_278 : i32
      %get3A = arith.index_cast %mul3A_279 : i32 to index
      %get3A_280 = tpu.vector_load %arg8[%get3A] {strides = array<i32>} : memref<1024xi32, #tpu.memory_space<vmem>>, vector<16xi32>,
      %min3A = arith.constant 99999 : i32
      %min3A_281 = vector.broadcast %min3A : i32 to vector<16xi32>
      %min3A_282 = arith.minsi %get3A_280, %min3A_281 : vector<16xi32>
      %swap3A = arith.index_cast %mul3A_279 : i32 to index
      %swap3A_283 = tpu.vector_load %arg11[%swap3A] {strides = array<i32>} : memref<1024xi32, #tpu.memory_space<vmem>>, vector<16xi32>,
      tpu.vector_store %arg11[%swap3A], %min3A_282 {strides = array<i32>} : memref<1024xi32, #tpu.memory_space<vmem>>, vector<16xi32>,
      %get3A_284 = arith.index_cast %mul3A_279 : i32 to index
      %get3A_285 = tpu.vector_load %arg9[%get3A_284] {strides = array<i32>} : memref<1024xi32, #tpu.memory_space<vmem>>, vector<16xi32>,
      %mul3A_286 = arith.constant 16 : i32
      %mul3A_287 = vector.broadcast %mul3A_286 : i32 to vector<16xi32>
      %mul3A_288 = arith.muli %get3A_285, %mul3A_287 : vector<16xi32>
      %get3A_289 = arith.index_cast %mul3A_279 : i32 to index
      %get3A_290 = tpu.vector_load %arg10[%get3A_289] {strides = array<i32>} : memref<1024xi32, #tpu.memory_space<vmem>>, vector<16xi32>,
      %add3A_291 = arith.addi %mul3A_288, %get3A_290 : vector<16xi32>
      %ge3A = arith.constant 100000 : i32
      %ge3A_292 = vector.broadcast %ge3A : i32 to vector<16xi32>
      %ge3A_293 = arith.cmpi sge, %get3A_280, %ge3A_292 : vector<16xi32>
      %jit3A = arith.constant 256 : i32
      %broadcast_in_dim3A = vector.broadcast %jit3A : i32 to vector<16xi32>
      %select_n3A = arith.select %ge3A_293, %broadcast_in_dim3A, %add3A_291 : vector<16xi1>, vector<16xi32>
      %swap3A_294 = arith.index_cast %mul3A_279 : i32 to index
      %swap3A_295 = tpu.vector_load %arg12[%swap3A_294] {strides = array<i32>} : memref<1024xi32, #tpu.memory_space<vmem>>, vector<16xi32>,
      tpu.vector_store %arg12[%swap3A_294], %select_n3A {strides = array<i32>} : memref<1024xi32, #tpu.memory_space<vmem>>, vector<16xi32>,
    }
    %scan3A_146 = arith.constant 64 : i32
    %dma_start3A_147 = arith.constant 0 : i32
    %dma_start3A_148 = arith.constant 0 : i32
    %dma_start3A_149 = tpu.memref_slice %arg13[%dma_start3A_147, %dma_start3A_148] : memref<1024x64xf32, #tpu.memory_space<vmem>> -> memref<128x64xf32, #tpu.memory_space<vmem>>
    %dma_start3A_150 = arith.constant 0 : i32
    %dma_start3A_151 = tpu.memref_slice %arg11[%dma_start3A_150] : memref<1024xi32, #tpu.memory_space<vmem>> -> memref<128xi32, #tpu.memory_space<vmem>>
    %dma_start3A_152 = arith.constant 0 : i32
    %dma_start3A_153 = arith.constant 0 : i32
    %dma_start3A_154 = tpu.memref_slice %arg2[%dma_start3A_152, %dma_start3A_153] : memref<100000x64xf32, #tpu.memory_space<hbm>> -> memref<100000x64xf32, #tpu.memory_space<hbm>>
    tpu.enqueue_indirect_dma source(%dma_start3A_154 : memref<100000x64xf32, #tpu.memory_space<hbm>>) target(%dma_start3A_149 : memref<128x64xf32, #tpu.memory_space<vmem>>) offsets(%dma_start3A_151 : memref<128xi32, #tpu.memory_space<vmem>>) semaphore(%arg14 : memref<!tpu.dma_semaphore, #tpu.memory_space<semaphore_mem>>)
    %dma_start3A_155 = arith.constant 128 : i32
    %dma_start3A_156 = arith.constant 0 : i32
    %dma_start3A_157 = tpu.memref_slice %arg13[%dma_start3A_155, %dma_start3A_156] : memref<1024x64xf32, #tpu.memory_space<vmem>> -> memref<128x64xf32, #tpu.memory_space<vmem>>
    %dma_start3A_158 = arith.constant 128 : i32
    %dma_start3A_159 = tpu.memref_slice %arg11[%dma_start3A_158] : memref<1024xi32, #tpu.memory_space<vmem>> -> memref<128xi32, #tpu.memory_space<vmem>>
    %dma_start3A_160 = arith.constant 0 : i32
    %dma_start3A_161 = arith.constant 0 : i32
    %dma_start3A_162 = tpu.memref_slice %arg2[%dma_start3A_160, %dma_start3A_161] : memref<100000x64xf32, #tpu.memory_space<hbm>> -> memref<100000x64xf32, #tpu.memory_space<hbm>>
    tpu.enqueue_indirect_dma source(%dma_start3A_162 : memref<100000x64xf32, #tpu.memory_space<hbm>>) target(%dma_start3A_157 : memref<128x64xf32, #tpu.memory_space<vmem>>) offsets(%dma_start3A_159 : memref<128xi32, #tpu.memory_space<vmem>>) semaphore(%arg14 : memref<!tpu.dma_semaphore, #tpu.memory_space<semaphore_mem>>)
    %dma_start3A_163 = arith.constant 256 : i32
    %dma_start3A_164 = arith.constant 0 : i32
    %dma_start3A_165 = tpu.memref_slice %arg13[%dma_start3A_163, %dma_start3A_164] : memref<1024x64xf32, #tpu.memory_space<vmem>> -> memref<128x64xf32, #tpu.memory_space<vmem>>
    %dma_start3A_166 = arith.constant 256 : i32
    %dma_start3A_167 = tpu.memref_slice %arg11[%dma_start3A_166] : memref<1024xi32, #tpu.memory_space<vmem>> -> memref<128xi32, #tpu.memory_space<vmem>>
    %dma_start3A_168 = arith.constant 0 : i32
    %dma_start3A_169 = arith.constant 0 : i32
    %dma_start3A_170 = tpu.memref_slice %arg2[%dma_start3A_168, %dma_start3A_169] : memref<100000x64xf32, #tpu.memory_space<hbm>> -> memref<100000x64xf32, #tpu.memory_space<hbm>>
    tpu.enqueue_indirect_dma source(%dma_start3A_170 : memref<100000x64xf32, #tpu.memory_space<hbm>>) target(%dma_start3A_165 : memref<128x64xf32, #tpu.memory_space<vmem>>) offsets(%dma_start3A_167 : memref<128xi32, #tpu.memory_space<vmem>>) semaphore(%arg14 : memref<!tpu.dma_semaphore, #tpu.memory_space<semaphore_mem>>)
    %dma_start3A_171 = arith.constant 384 : i32
    %dma_start3A_172 = arith.constant 0 : i32
    %dma_start3A_173 = tpu.memref_slice %arg13[%dma_start3A_171, %dma_start3A_172] : memref<1024x64xf32, #tpu.memory_space<vmem>> -> memref<128x64xf32, #tpu.memory_space<vmem>>
    %dma_start3A_174 = arith.constant 384 : i32
    %dma_start3A_175 = tpu.memref_slice %arg11[%dma_start3A_174] : memref<1024xi32, #tpu.memory_space<vmem>> -> memref<128xi32, #tpu.memory_space<vmem>>
    %dma_start3A_176 = arith.constant 0 : i32
    %dma_start3A_177 = arith.constant 0 : i32
    %dma_start3A_178 = tpu.memref_slice %arg2[%dma_start3A_176, %dma_start3A_177] : memref<100000x64xf32, #tpu.memory_space<hbm>> -> memref<100000x64xf32, #tpu.memory_space<hbm>>
    tpu.enqueue_indirect_dma source(%dma_start3A_178 : memref<100000x64xf32, #tpu.memory_space<hbm>>) target(%dma_start3A_173 : memref<128x64xf32, #tpu.memory_space<vmem>>) offsets(%dma_start3A_175 : memref<128xi32, #tpu.memory_space<vmem>>) semaphore(%arg14 : memref<!tpu.dma_semaphore, #tpu.memory_space<semaphore_mem>>)
    %dma_start3A_179 = arith.constant 512 : i32
    %dma_start3A_180 = arith.constant 0 : i32
    %dma_start3A_181 = tpu.memref_slice %arg13[%dma_start3A_179, %dma_start3A_180] : memref<1024x64xf32, #tpu.memory_space<vmem>> -> memref<128x64xf32, #tpu.memory_space<vmem>>
    %dma_start3A_182 = arith.constant 512 : i32
    %dma_start3A_183 = tpu.memref_slice %arg11[%dma_start3A_182] : memref<1024xi32, #tpu.memory_space<vmem>> -> memref<128xi32, #tpu.memory_space<vmem>>
    %dma_start3A_184 = arith.constant 0 : i32
    %dma_start3A_185 = arith.constant 0 : i32
    %dma_start3A_186 = tpu.memref_slice %arg2[%dma_start3A_184, %dma_start3A_185] : memref<100000x64xf32, #tpu.memory_space<hbm>> -> memref<100000x64xf32, #tpu.memory_space<hbm>>
    tpu.enqueue_indirect_dma source(%dma_start3A_186 : memref<100000x64xf32, #tpu.memory_space<hbm>>) target(%dma_start3A_181 : memref<128x64xf32, #tpu.memory_space<vmem>>) offsets(%dma_start3A_183 : memref<128xi32, #tpu.memory_space<vmem>>) semaphore(%arg14 : memref<!tpu.dma_semaphore, #tpu.memory_space<semaphore_mem>>)
    %dma_start3A_187 = arith.constant 640 : i32
    %dma_start3A_188 = arith.constant 0 : i32
    %dma_start3A_189 = tpu.memref_slice %arg13[%dma_start3A_187, %dma_start3A_188] : memref<1024x64xf32, #tpu.memory_space<vmem>> -> memref<128x64xf32, #tpu.memory_space<vmem>>
    %dma_start3A_190 = arith.constant 640 : i32
    %dma_start3A_191 = tpu.memref_slice %arg11[%dma_start3A_190] : memref<1024xi32, #tpu.memory_space<vmem>> -> memref<128xi32, #tpu.memory_space<vmem>>
    %dma_start3A_192 = arith.constant 0 : i32
    %dma_start3A_193 = arith.constant 0 : i32
    %dma_start3A_194 = tpu.memref_slice %arg2[%dma_start3A_192, %dma_start3A_193] : memref<100000x64xf32, #tpu.memory_space<hbm>> -> memref<100000x64xf32, #tpu.memory_space<hbm>>
    tpu.enqueue_indirect_dma source(%dma_start3A_194 : memref<100000x64xf32, #tpu.memory_space<hbm>>) target(%dma_start3A_189 : memref<128x64xf32, #tpu.memory_space<vmem>>) offsets(%dma_start3A_191 : memref<128xi32, #tpu.memory_space<vmem>>) semaphore(%arg14 : memref<!tpu.dma_semaphore, #tpu.memory_space<semaphore_mem>>)
    %dma_start3A_195 = arith.constant 768 : i32
    %dma_start3A_196 = arith.constant 0 : i32
    %dma_start3A_197 = tpu.memref_slice %arg13[%dma_start3A_195, %dma_start3A_196] : memref<1024x64xf32, #tpu.memory_space<vmem>> -> memref<128x64xf32, #tpu.memory_space<vmem>>
    %dma_start3A_198 = arith.constant 768 : i32
    %dma_start3A_199 = tpu.memref_slice %arg11[%dma_start3A_198] : memref<1024xi32, #tpu.memory_space<vmem>> -> memref<128xi32, #tpu.memory_space<vmem>>
    %dma_start3A_200 = arith.constant 0 : i32
    %dma_start3A_201 = arith.constant 0 : i32
    %dma_start3A_202 = tpu.memref_slice %arg2[%dma_start3A_200, %dma_start3A_201] : memref<100000x64xf32, #tpu.memory_space<hbm>> -> memref<100000x64xf32, #tpu.memory_space<hbm>>
    tpu.enqueue_indirect_dma source(%dma_start3A_202 : memref<100000x64xf32, #tpu.memory_space<hbm>>) target(%dma_start3A_197 : memref<128x64xf32, #tpu.memory_space<vmem>>) offsets(%dma_start3A_199 : memref<128xi32, #tpu.memory_space<vmem>>) semaphore(%arg14 : memref<!tpu.dma_semaphore, #tpu.memory_space<semaphore_mem>>)
    %dma_start3A_203 = arith.constant 896 : i32
    %dma_start3A_204 = arith.constant 0 : i32
    %dma_start3A_205 = tpu.memref_slice %arg13[%dma_start3A_203, %dma_start3A_204] : memref<1024x64xf32, #tpu.memory_space<vmem>> -> memref<128x64xf32, #tpu.memory_space<vmem>>
    %dma_start3A_206 = arith.constant 896 : i32
    %dma_start3A_207 = tpu.memref_slice %arg11[%dma_start3A_206] : memref<1024xi32, #tpu.memory_space<vmem>> -> memref<128xi32, #tpu.memory_space<vmem>>
    %dma_start3A_208 = arith.constant 0 : i32
    %dma_start3A_209 = arith.constant 0 : i32
    %dma_start3A_210 = tpu.memref_slice %arg2[%dma_start3A_208, %dma_start3A_209] : memref<100000x64xf32, #tpu.memory_space<hbm>> -> memref<100000x64xf32, #tpu.memory_space<hbm>>
    tpu.enqueue_indirect_dma source(%dma_start3A_210 : memref<100000x64xf32, #tpu.memory_space<hbm>>) target(%dma_start3A_205 : memref<128x64xf32, #tpu.memory_space<vmem>>) offsets(%dma_start3A_207 : memref<128xi32, #tpu.memory_space<vmem>>) semaphore(%arg14 : memref<!tpu.dma_semaphore, #tpu.memory_space<semaphore_mem>>)
    %run_scoped3A_211 = arith.constant 1 : i32
    "tpu.region"() ({
      %run_scoped3A_277 = tpu.sem_alloc : memref<!tpu.dma_semaphore, #tpu.memory_space<semaphore_mem>>
      %dma_start3A_278 = tpu.memref_slice %arg7[%run_scoped3A_211, %mul3A_2] : memref<2x32768xi32, #tpu.memory_space<hbm>> -> memref<1x1024xi32, #tpu.memory_space<hbm>>
      %dma_start3A_279 = tpu.memref_squeeze %dma_start3A_278 : memref<1x1024xi32, #tpu.memory_space<hbm>> -> memref<1024xi32, #tpu.memory_space<hbm>>
      %dma_start3A_280 = tpu.memref_slice %arg7[%run_scoped3A_211, %mul3A_2] : memref<2x32768xi32, #tpu.memory_space<hbm>> -> memref<1x1024xi32, #tpu.memory_space<hbm>>
      %dma_start3A_281 = tpu.memref_squeeze %dma_start3A_280 : memref<1x1024xi32, #tpu.memory_space<hbm>> -> memref<1024xi32, #tpu.memory_space<hbm>>
      tpu.enqueue_dma source(%arg12 : memref<1024xi32, #tpu.memory_space<vmem>>) target(%dma_start3A_281 : memref<1024xi32, #tpu.memory_space<hbm>>) target_semaphore(%run_scoped3A_277 : memref<!tpu.dma_semaphore, #tpu.memory_space<semaphore_mem>>)
      %dma_wait3A_282 = tpu.memref_slice %arg7[%run_scoped3A_211, %mul3A_2] : memref<2x32768xi32, #tpu.memory_space<hbm>> -> memref<1x1024xi32, #tpu.memory_space<hbm>>
      %dma_wait3A_283 = tpu.memref_squeeze %dma_wait3A_282 : memref<1x1024xi32, #tpu.memory_space<hbm>> -> memref<1024xi32, #tpu.memory_space<hbm>>
      %dma_wait3A_284 = tpu.memref_slice %arg7[%run_scoped3A_211, %mul3A_2] : memref<2x32768xi32, #tpu.memory_space<hbm>> -> memref<1x1024xi32, #tpu.memory_space<hbm>>
      %dma_wait3A_285 = tpu.memref_squeeze %dma_wait3A_284 : memref<1x1024xi32, #tpu.memory_space<hbm>> -> memref<1024xi32, #tpu.memory_space<hbm>>
      tpu.wait_dma2 semaphore(%run_scoped3A_277 : memref<!tpu.dma_semaphore, #tpu.memory_space<semaphore_mem>>) src(%arg12 : memref<1024xi32, #tpu.memory_space<vmem>>) dst(%dma_wait3A_285 : memref<1024xi32, #tpu.memory_space<hbm>>)
      tpu.yield
    }) : () -> ()
    %dma_wait3A_212 = arith.constant 0 : i32
    %dma_wait3A_213 = arith.constant 0 : i32
    %dma_wait3A_214 = tpu.memref_slice %arg13[%dma_wait3A_212, %dma_wait3A_213] : memref<1024x64xf32, #tpu.memory_space<vmem>> -> memref<128x64xf32, #tpu.memory_space<vmem>>
    %dma_wait3A_215 = arith.constant 0 : i32
    %dma_wait3A_216 = tpu.memref_slice %arg11[%dma_wait3A_215] : memref<1024xi32, #tpu.memory_space<vmem>> -> memref<128xi32, #tpu.memory_space<vmem>>
    %dma_wait3A_217 = arith.constant 0 : i32
    %dma_wait3A_218 = arith.constant 0 : i32
    %dma_wait3A_219 = tpu.memref_slice %arg2[%dma_wait3A_217, %dma_wait3A_218] : memref<100000x64xf32, #tpu.memory_space<hbm>> -> memref<100000x64xf32, #tpu.memory_space<hbm>>
    tpu.wait_indirect_dma semaphore(%arg14 : memref<!tpu.dma_semaphore, #tpu.memory_space<semaphore_mem>>) src(%dma_wait3A_219 : memref<100000x64xf32, #tpu.memory_space<hbm>>) dst(%dma_wait3A_214 : memref<128x64xf32, #tpu.memory_space<vmem>>)
    %dma_wait3A_220 = arith.constant 128 : i32
    %dma_wait3A_221 = arith.constant 0 : i32
    %dma_wait3A_222 = tpu.memref_slice %arg13[%dma_wait3A_220, %dma_wait3A_221] : memref<1024x64xf32, #tpu.memory_space<vmem>> -> memref<128x64xf32, #tpu.memory_space<vmem>>
    %dma_wait3A_223 = arith.constant 128 : i32
    %dma_wait3A_224 = tpu.memref_slice %arg11[%dma_wait3A_223] : memref<1024xi32, #tpu.memory_space<vmem>> -> memref<128xi32, #tpu.memory_space<vmem>>
    %dma_wait3A_225 = arith.constant 0 : i32
    %dma_wait3A_226 = arith.constant 0 : i32
    %dma_wait3A_227 = tpu.memref_slice %arg2[%dma_wait3A_225, %dma_wait3A_226] : memref<100000x64xf32, #tpu.memory_space<hbm>> -> memref<100000x64xf32, #tpu.memory_space<hbm>>
    tpu.wait_indirect_dma semaphore(%arg14 : memref<!tpu.dma_semaphore, #tpu.memory_space<semaphore_mem>>) src(%dma_wait3A_227 : memref<100000x64xf32, #tpu.memory_space<hbm>>) dst(%dma_wait3A_222 : memref<128x64xf32, #tpu.memory_space<vmem>>)
    %dma_wait3A_228 = arith.constant 256 : i32
    %dma_wait3A_229 = arith.constant 0 : i32
    %dma_wait3A_230 = tpu.memref_slice %arg13[%dma_wait3A_228, %dma_wait3A_229] : memref<1024x64xf32, #tpu.memory_space<vmem>> -> memref<128x64xf32, #tpu.memory_space<vmem>>
    %dma_wait3A_231 = arith.constant 256 : i32
    %dma_wait3A_232 = tpu.memref_slice %arg11[%dma_wait3A_231] : memref<1024xi32, #tpu.memory_space<vmem>> -> memref<128xi32, #tpu.memory_space<vmem>>
    %dma_wait3A_233 = arith.constant 0 : i32
    %dma_wait3A_234 = arith.constant 0 : i32
    %dma_wait3A_235 = tpu.memref_slice %arg2[%dma_wait3A_233, %dma_wait3A_234] : memref<100000x64xf32, #tpu.memory_space<hbm>> -> memref<100000x64xf32, #tpu.memory_space<hbm>>
    tpu.wait_indirect_dma semaphore(%arg14 : memref<!tpu.dma_semaphore, #tpu.memory_space<semaphore_mem>>) src(%dma_wait3A_235 : memref<100000x64xf32, #tpu.memory_space<hbm>>) dst(%dma_wait3A_230 : memref<128x64xf32, #tpu.memory_space<vmem>>)
    %dma_wait3A_236 = arith.constant 384 : i32
    %dma_wait3A_237 = arith.constant 0 : i32
    %dma_wait3A_238 = tpu.memref_slice %arg13[%dma_wait3A_236, %dma_wait3A_237] : memref<1024x64xf32, #tpu.memory_space<vmem>> -> memref<128x64xf32, #tpu.memory_space<vmem>>
    %dma_wait3A_239 = arith.constant 384 : i32
    %dma_wait3A_240 = tpu.memref_slice %arg11[%dma_wait3A_239] : memref<1024xi32, #tpu.memory_space<vmem>> -> memref<128xi32, #tpu.memory_space<vmem>>
    %dma_wait3A_241 = arith.constant 0 : i32
    %dma_wait3A_242 = arith.constant 0 : i32
    %dma_wait3A_243 = tpu.memref_slice %arg2[%dma_wait3A_241, %dma_wait3A_242] : memref<100000x64xf32, #tpu.memory_space<hbm>> -> memref<100000x64xf32, #tpu.memory_space<hbm>>
    tpu.wait_indirect_dma semaphore(%arg14 : memref<!tpu.dma_semaphore, #tpu.memory_space<semaphore_mem>>) src(%dma_wait3A_243 : memref<100000x64xf32, #tpu.memory_space<hbm>>) dst(%dma_wait3A_238 : memref<128x64xf32, #tpu.memory_space<vmem>>)
    %dma_wait3A_244 = arith.constant 512 : i32
    %dma_wait3A_245 = arith.constant 0 : i32
    %dma_wait3A_246 = tpu.memref_slice %arg13[%dma_wait3A_244, %dma_wait3A_245] : memref<1024x64xf32, #tpu.memory_space<vmem>> -> memref<128x64xf32, #tpu.memory_space<vmem>>
    %dma_wait3A_247 = arith.constant 512 : i32
    %dma_wait3A_248 = tpu.memref_slice %arg11[%dma_wait3A_247] : memref<1024xi32, #tpu.memory_space<vmem>> -> memref<128xi32, #tpu.memory_space<vmem>>
    %dma_wait3A_249 = arith.constant 0 : i32
    %dma_wait3A_250 = arith.constant 0 : i32
    %dma_wait3A_251 = tpu.memref_slice %arg2[%dma_wait3A_249, %dma_wait3A_250] : memref<100000x64xf32, #tpu.memory_space<hbm>> -> memref<100000x64xf32, #tpu.memory_space<hbm>>
    tpu.wait_indirect_dma semaphore(%arg14 : memref<!tpu.dma_semaphore, #tpu.memory_space<semaphore_mem>>) src(%dma_wait3A_251 : memref<100000x64xf32, #tpu.memory_space<hbm>>) dst(%dma_wait3A_246 : memref<128x64xf32, #tpu.memory_space<vmem>>)
    %dma_wait3A_252 = arith.constant 640 : i32
    %dma_wait3A_253 = arith.constant 0 : i32
    %dma_wait3A_254 = tpu.memref_slice %arg13[%dma_wait3A_252, %dma_wait3A_253] : memref<1024x64xf32, #tpu.memory_space<vmem>> -> memref<128x64xf32, #tpu.memory_space<vmem>>
    %dma_wait3A_255 = arith.constant 640 : i32
    %dma_wait3A_256 = tpu.memref_slice %arg11[%dma_wait3A_255] : memref<1024xi32, #tpu.memory_space<vmem>> -> memref<128xi32, #tpu.memory_space<vmem>>
    %dma_wait3A_257 = arith.constant 0 : i32
    %dma_wait3A_258 = arith.constant 0 : i32
    %dma_wait3A_259 = tpu.memref_slice %arg2[%dma_wait3A_257, %dma_wait3A_258] : memref<100000x64xf32, #tpu.memory_space<hbm>> -> memref<100000x64xf32, #tpu.memory_space<hbm>>
    tpu.wait_indirect_dma semaphore(%arg14 : memref<!tpu.dma_semaphore, #tpu.memory_space<semaphore_mem>>) src(%dma_wait3A_259 : memref<100000x64xf32, #tpu.memory_space<hbm>>) dst(%dma_wait3A_254 : memref<128x64xf32, #tpu.memory_space<vmem>>)
    %dma_wait3A_260 = arith.constant 768 : i32
    %dma_wait3A_261 = arith.constant 0 : i32
    %dma_wait3A_262 = tpu.memref_slice %arg13[%dma_wait3A_260, %dma_wait3A_261] : memref<1024x64xf32, #tpu.memory_space<vmem>> -> memref<128x64xf32, #tpu.memory_space<vmem>>
    %dma_wait3A_263 = arith.constant 768 : i32
    %dma_wait3A_264 = tpu.memref_slice %arg11[%dma_wait3A_263] : memref<1024xi32, #tpu.memory_space<vmem>> -> memref<128xi32, #tpu.memory_space<vmem>>
    %dma_wait3A_265 = arith.constant 0 : i32
    %dma_wait3A_266 = arith.constant 0 : i32
    %dma_wait3A_267 = tpu.memref_slice %arg2[%dma_wait3A_265, %dma_wait3A_266] : memref<100000x64xf32, #tpu.memory_space<hbm>> -> memref<100000x64xf32, #tpu.memory_space<hbm>>
    tpu.wait_indirect_dma semaphore(%arg14 : memref<!tpu.dma_semaphore, #tpu.memory_space<semaphore_mem>>) src(%dma_wait3A_267 : memref<100000x64xf32, #tpu.memory_space<hbm>>) dst(%dma_wait3A_262 : memref<128x64xf32, #tpu.memory_space<vmem>>)
    %dma_wait3A_268 = arith.constant 896 : i32
    %dma_wait3A_269 = arith.constant 0 : i32
    %dma_wait3A_270 = tpu.memref_slice %arg13[%dma_wait3A_268, %dma_wait3A_269] : memref<1024x64xf32, #tpu.memory_space<vmem>> -> memref<128x64xf32, #tpu.memory_space<vmem>>
    %dma_wait3A_271 = arith.constant 896 : i32
    %dma_wait3A_272 = tpu.memref_slice %arg11[%dma_wait3A_271] : memref<1024xi32, #tpu.memory_space<vmem>> -> memref<128xi32, #tpu.memory_space<vmem>>
    %dma_wait3A_273 = arith.constant 0 : i32
    %dma_wait3A_274 = arith.constant 0 : i32
    %dma_wait3A_275 = tpu.memref_slice %arg2[%dma_wait3A_273, %dma_wait3A_274] : memref<100000x64xf32, #tpu.memory_space<hbm>> -> memref<100000x64xf32, #tpu.memory_space<hbm>>
    tpu.wait_indirect_dma semaphore(%arg14 : memref<!tpu.dma_semaphore, #tpu.memory_space<semaphore_mem>>) src(%dma_wait3A_275 : memref<100000x64xf32, #tpu.memory_space<hbm>>) dst(%dma_wait3A_270 : memref<128x64xf32, #tpu.memory_space<vmem>>)
    %run_scoped3A_276 = arith.constant 1 : i32
    "tpu.region"() ({
      %run_scoped3A_277 = tpu.sem_alloc : memref<!tpu.dma_semaphore, #tpu.memory_space<semaphore_mem>>
      %dma_start3A_278 = arith.constant 0 : i32
      %dma_start3A_279 = tpu.memref_slice %arg6[%run_scoped3A_276, %mul3A_2, %dma_start3A_278] : memref<2x32768x64xf32, #tpu.memory_space<hbm>> -> memref<1x1024x64xf32, #tpu.memory_space<hbm>>
      %dma_start3A_280 = tpu.memref_squeeze %dma_start3A_279 : memref<1x1024x64xf32, #tpu.memory_space<hbm>> -> memref<1024x64xf32, #tpu.memory_space<hbm>>
      %dma_start3A_281 = arith.constant 0 : i32
      %dma_start3A_282 = tpu.memref_slice %arg6[%run_scoped3A_276, %mul3A_2, %dma_start3A_281] : memref<2x32768x64xf32, #tpu.memory_space<hbm>> -> memref<1x1024x64xf32, #tpu.memory_space<hbm>>
      %dma_start3A_283 = tpu.memref_squeeze %dma_start3A_282 : memref<1x1024x64xf32, #tpu.memory_space<hbm>> -> memref<1024x64xf32, #tpu.memory_space<hbm>>
      tpu.enqueue_dma source(%arg13 : memref<1024x64xf32, #tpu.memory_space<vmem>>) target(%dma_start3A_283 : memref<1024x64xf32, #tpu.memory_space<hbm>>) target_semaphore(%run_scoped3A_277 : memref<!tpu.dma_semaphore, #tpu.memory_space<semaphore_mem>>)
      %dma_wait3A_284 = arith.constant 0 : i32
      %dma_wait3A_285 = tpu.memref_slice %arg6[%run_scoped3A_276, %mul3A_2, %dma_wait3A_284] : memref<2x32768x64xf32, #tpu.memory_space<hbm>> -> memref<1x1024x64xf32, #tpu.memory_space<hbm>>
      %dma_wait3A_286 = tpu.memref_squeeze %dma_wait3A_285 : memref<1x1024x64xf32, #tpu.memory_space<hbm>> -> memref<1024x64xf32, #tpu.memory_space<hbm>>
      %dma_wait3A_287 = arith.constant 0 : i32
      %dma_wait3A_288 = tpu.memref_slice %arg6[%run_scoped3A_276, %mul3A_2, %dma_wait3A_287] : memref<2x32768x64xf32, #tpu.memory_space<hbm>> -> memref<1x1024x64xf32, #tpu.memory_space<hbm>>
      %dma_wait3A_289 = tpu.memref_squeeze %dma_wait3A_288 : memref<1x1024x64xf32, #tpu.memory_space<hbm>> -> memref<1024x64xf32, #tpu.memory_space<hbm>>
      tpu.wait_dma2 semaphore(%run_scoped3A_277 : memref<!tpu.dma_semaphore, #tpu.memory_space<semaphore_mem>>) src(%arg13 : memref<1024x64xf32, #tpu.memory_space<vmem>>) dst(%dma_wait3A_289 : memref<1024x64xf32, #tpu.memory_space<hbm>>)
      tpu.yield
    }) : () -> ()
    return
  }
}

#map = affine_map<(d0, d1) -> (0, 0)>
#map1 = affine_map<(d0, d1) -> (0)>
module attributes {stable_mosaic.version = 14 : i64} {
  func.func @_gather_stage(%arg0: i32, %arg1: i32, %arg2: memref<100000x64xf32, #tpu.memory_space<hbm>>, %arg3: memref<16384xi32, #tpu.memory_space<hbm>>, %arg4: memref<32xi32, #tpu.memory_space<hbm>>, %arg5: memref<16384x64xf32, #tpu.memory_space<hbm>>, %arg6: memref<32x64xf32, #tpu.memory_space<hbm>>, %arg7: memref<512xi32, #tpu.memory_space<vmem>>, %arg8: memref<512x64xf32, #tpu.memory_space<vmem>>, %arg9: memref<32xi32, #tpu.memory_space<vmem>>, %arg10: memref<32x64xf32, #tpu.memory_space<vmem>>, %arg11: memref<!tpu.dma_semaphore, #tpu.memory_space<semaphore_mem>>) attributes {dimension_semantics = [#tpu.dimension_semantics<core_parallel>, #tpu.dimension_semantics<subcore_parallel>], iteration_bounds = array<i64: 2, 16>, scalar_prefetch = 0 : i64, scratch_operands = 5 : i64, tpu.core_type = #tpu.core_type<sc_vector_subcore>, window_params = [{transform_indices = #map}, {transform_indices = #map1}, {transform_indices = #map1}, {transform_indices = #map}, {transform_indices = #map}]} {
    %mul3A = arith.constant 2 : i32
    %mul3A_0 = arith.muli %arg1, %mul3A : i32
    %add3A = arith.addi %mul3A_0, %arg0 : i32
    %mul3A_1 = arith.constant 512 : i32
    %mul3A_2 = arith.muli %add3A, %mul3A_1 : i32
    "tpu.region"() ({
      %run_scoped3A = tpu.sem_alloc : memref<!tpu.dma_semaphore, #tpu.memory_space<semaphore_mem>>
      %dma_start3A_67 = tpu.memref_slice %arg3[%mul3A_2] : memref<16384xi32, #tpu.memory_space<hbm>> -> memref<512xi32, #tpu.memory_space<hbm>>
      %dma_start3A_68 = tpu.memref_slice %arg3[%mul3A_2] : memref<16384xi32, #tpu.memory_space<hbm>> -> memref<512xi32, #tpu.memory_space<hbm>>
      tpu.enqueue_dma source(%dma_start3A_68 : memref<512xi32, #tpu.memory_space<hbm>>) target(%arg7 : memref<512xi32, #tpu.memory_space<vmem>>) target_semaphore(%run_scoped3A : memref<!tpu.dma_semaphore, #tpu.memory_space<semaphore_mem>>)
      %dma_wait3A_69 = tpu.memref_slice %arg3[%mul3A_2] : memref<16384xi32, #tpu.memory_space<hbm>> -> memref<512xi32, #tpu.memory_space<hbm>>
      %dma_wait3A_70 = tpu.memref_slice %arg3[%mul3A_2] : memref<16384xi32, #tpu.memory_space<hbm>> -> memref<512xi32, #tpu.memory_space<hbm>>
      tpu.wait_dma2 semaphore(%run_scoped3A : memref<!tpu.dma_semaphore, #tpu.memory_space<semaphore_mem>>) src(%dma_wait3A_70 : memref<512xi32, #tpu.memory_space<hbm>>) dst(%arg7 : memref<512xi32, #tpu.memory_space<vmem>>)
      tpu.yield
    }) : () -> ()
    %dma_start3A = arith.constant 0 : i32
    %dma_start3A_3 = arith.constant 0 : i32
    %dma_start3A_4 = tpu.memref_slice %arg8[%dma_start3A, %dma_start3A_3] : memref<512x64xf32, #tpu.memory_space<vmem>> -> memref<128x64xf32, #tpu.memory_space<vmem>>
    %dma_start3A_5 = arith.constant 0 : i32
    %dma_start3A_6 = tpu.memref_slice %arg7[%dma_start3A_5] : memref<512xi32, #tpu.memory_space<vmem>> -> memref<128xi32, #tpu.memory_space<vmem>>
    %dma_start3A_7 = arith.constant 0 : i32
    %dma_start3A_8 = arith.constant 0 : i32
    %dma_start3A_9 = tpu.memref_slice %arg2[%dma_start3A_7, %dma_start3A_8] : memref<100000x64xf32, #tpu.memory_space<hbm>> -> memref<100000x64xf32, #tpu.memory_space<hbm>>
    tpu.enqueue_indirect_dma source(%dma_start3A_9 : memref<100000x64xf32, #tpu.memory_space<hbm>>) target(%dma_start3A_4 : memref<128x64xf32, #tpu.memory_space<vmem>>) offsets(%dma_start3A_6 : memref<128xi32, #tpu.memory_space<vmem>>) semaphore(%arg11 : memref<!tpu.dma_semaphore, #tpu.memory_space<semaphore_mem>>)
    %dma_start3A_10 = arith.constant 128 : i32
    %dma_start3A_11 = arith.constant 0 : i32
    %dma_start3A_12 = tpu.memref_slice %arg8[%dma_start3A_10, %dma_start3A_11] : memref<512x64xf32, #tpu.memory_space<vmem>> -> memref<128x64xf32, #tpu.memory_space<vmem>>
    %dma_start3A_13 = arith.constant 128 : i32
    %dma_start3A_14 = tpu.memref_slice %arg7[%dma_start3A_13] : memref<512xi32, #tpu.memory_space<vmem>> -> memref<128xi32, #tpu.memory_space<vmem>>
    %dma_start3A_15 = arith.constant 0 : i32
    %dma_start3A_16 = arith.constant 0 : i32
    %dma_start3A_17 = tpu.memref_slice %arg2[%dma_start3A_15, %dma_start3A_16] : memref<100000x64xf32, #tpu.memory_space<hbm>> -> memref<100000x64xf32, #tpu.memory_space<hbm>>
    tpu.enqueue_indirect_dma source(%dma_start3A_17 : memref<100000x64xf32, #tpu.memory_space<hbm>>) target(%dma_start3A_12 : memref<128x64xf32, #tpu.memory_space<vmem>>) offsets(%dma_start3A_14 : memref<128xi32, #tpu.memory_space<vmem>>) semaphore(%arg11 : memref<!tpu.dma_semaphore, #tpu.memory_space<semaphore_mem>>)
    %dma_start3A_18 = arith.constant 256 : i32
    %dma_start3A_19 = arith.constant 0 : i32
    %dma_start3A_20 = tpu.memref_slice %arg8[%dma_start3A_18, %dma_start3A_19] : memref<512x64xf32, #tpu.memory_space<vmem>> -> memref<128x64xf32, #tpu.memory_space<vmem>>
    %dma_start3A_21 = arith.constant 256 : i32
    %dma_start3A_22 = tpu.memref_slice %arg7[%dma_start3A_21] : memref<512xi32, #tpu.memory_space<vmem>> -> memref<128xi32, #tpu.memory_space<vmem>>
    %dma_start3A_23 = arith.constant 0 : i32
    %dma_start3A_24 = arith.constant 0 : i32
    %dma_start3A_25 = tpu.memref_slice %arg2[%dma_start3A_23, %dma_start3A_24] : memref<100000x64xf32, #tpu.memory_space<hbm>> -> memref<100000x64xf32, #tpu.memory_space<hbm>>
    tpu.enqueue_indirect_dma source(%dma_start3A_25 : memref<100000x64xf32, #tpu.memory_space<hbm>>) target(%dma_start3A_20 : memref<128x64xf32, #tpu.memory_space<vmem>>) offsets(%dma_start3A_22 : memref<128xi32, #tpu.memory_space<vmem>>) semaphore(%arg11 : memref<!tpu.dma_semaphore, #tpu.memory_space<semaphore_mem>>)
    %dma_start3A_26 = arith.constant 384 : i32
    %dma_start3A_27 = arith.constant 0 : i32
    %dma_start3A_28 = tpu.memref_slice %arg8[%dma_start3A_26, %dma_start3A_27] : memref<512x64xf32, #tpu.memory_space<vmem>> -> memref<128x64xf32, #tpu.memory_space<vmem>>
    %dma_start3A_29 = arith.constant 384 : i32
    %dma_start3A_30 = tpu.memref_slice %arg7[%dma_start3A_29] : memref<512xi32, #tpu.memory_space<vmem>> -> memref<128xi32, #tpu.memory_space<vmem>>
    %dma_start3A_31 = arith.constant 0 : i32
    %dma_start3A_32 = arith.constant 0 : i32
    %dma_start3A_33 = tpu.memref_slice %arg2[%dma_start3A_31, %dma_start3A_32] : memref<100000x64xf32, #tpu.memory_space<hbm>> -> memref<100000x64xf32, #tpu.memory_space<hbm>>
    tpu.enqueue_indirect_dma source(%dma_start3A_33 : memref<100000x64xf32, #tpu.memory_space<hbm>>) target(%dma_start3A_28 : memref<128x64xf32, #tpu.memory_space<vmem>>) offsets(%dma_start3A_30 : memref<128xi32, #tpu.memory_space<vmem>>) semaphore(%arg11 : memref<!tpu.dma_semaphore, #tpu.memory_space<semaphore_mem>>)
    %dma_wait3A = arith.constant 0 : i32
    %dma_wait3A_34 = arith.constant 0 : i32
    %dma_wait3A_35 = tpu.memref_slice %arg8[%dma_wait3A, %dma_wait3A_34] : memref<512x64xf32, #tpu.memory_space<vmem>> -> memref<128x64xf32, #tpu.memory_space<vmem>>
    %dma_wait3A_36 = arith.constant 0 : i32
    %dma_wait3A_37 = tpu.memref_slice %arg7[%dma_wait3A_36] : memref<512xi32, #tpu.memory_space<vmem>> -> memref<128xi32, #tpu.memory_space<vmem>>
    %dma_wait3A_38 = arith.constant 0 : i32
    %dma_wait3A_39 = arith.constant 0 : i32
    %dma_wait3A_40 = tpu.memref_slice %arg2[%dma_wait3A_38, %dma_wait3A_39] : memref<100000x64xf32, #tpu.memory_space<hbm>> -> memref<100000x64xf32, #tpu.memory_space<hbm>>
    tpu.wait_indirect_dma semaphore(%arg11 : memref<!tpu.dma_semaphore, #tpu.memory_space<semaphore_mem>>) src(%dma_wait3A_40 : memref<100000x64xf32, #tpu.memory_space<hbm>>) dst(%dma_wait3A_35 : memref<128x64xf32, #tpu.memory_space<vmem>>)
    %dma_wait3A_41 = arith.constant 128 : i32
    %dma_wait3A_42 = arith.constant 0 : i32
    %dma_wait3A_43 = tpu.memref_slice %arg8[%dma_wait3A_41, %dma_wait3A_42] : memref<512x64xf32, #tpu.memory_space<vmem>> -> memref<128x64xf32, #tpu.memory_space<vmem>>
    %dma_wait3A_44 = arith.constant 128 : i32
    %dma_wait3A_45 = tpu.memref_slice %arg7[%dma_wait3A_44] : memref<512xi32, #tpu.memory_space<vmem>> -> memref<128xi32, #tpu.memory_space<vmem>>
    %dma_wait3A_46 = arith.constant 0 : i32
    %dma_wait3A_47 = arith.constant 0 : i32
    %dma_wait3A_48 = tpu.memref_slice %arg2[%dma_wait3A_46, %dma_wait3A_47] : memref<100000x64xf32, #tpu.memory_space<hbm>> -> memref<100000x64xf32, #tpu.memory_space<hbm>>
    tpu.wait_indirect_dma semaphore(%arg11 : memref<!tpu.dma_semaphore, #tpu.memory_space<semaphore_mem>>) src(%dma_wait3A_48 : memref<100000x64xf32, #tpu.memory_space<hbm>>) dst(%dma_wait3A_43 : memref<128x64xf32, #tpu.memory_space<vmem>>)
    %dma_wait3A_49 = arith.constant 256 : i32
    %dma_wait3A_50 = arith.constant 0 : i32
    %dma_wait3A_51 = tpu.memref_slice %arg8[%dma_wait3A_49, %dma_wait3A_50] : memref<512x64xf32, #tpu.memory_space<vmem>> -> memref<128x64xf32, #tpu.memory_space<vmem>>
    %dma_wait3A_52 = arith.constant 256 : i32
    %dma_wait3A_53 = tpu.memref_slice %arg7[%dma_wait3A_52] : memref<512xi32, #tpu.memory_space<vmem>> -> memref<128xi32, #tpu.memory_space<vmem>>
    %dma_wait3A_54 = arith.constant 0 : i32
    %dma_wait3A_55 = arith.constant 0 : i32
    %dma_wait3A_56 = tpu.memref_slice %arg2[%dma_wait3A_54, %dma_wait3A_55] : memref<100000x64xf32, #tpu.memory_space<hbm>> -> memref<100000x64xf32, #tpu.memory_space<hbm>>
    tpu.wait_indirect_dma semaphore(%arg11 : memref<!tpu.dma_semaphore, #tpu.memory_space<semaphore_mem>>) src(%dma_wait3A_56 : memref<100000x64xf32, #tpu.memory_space<hbm>>) dst(%dma_wait3A_51 : memref<128x64xf32, #tpu.memory_space<vmem>>)
    %dma_wait3A_57 = arith.constant 384 : i32
    %dma_wait3A_58 = arith.constant 0 : i32
    %dma_wait3A_59 = tpu.memref_slice %arg8[%dma_wait3A_57, %dma_wait3A_58] : memref<512x64xf32, #tpu.memory_space<vmem>> -> memref<128x64xf32, #tpu.memory_space<vmem>>
    %dma_wait3A_60 = arith.constant 384 : i32
    %dma_wait3A_61 = tpu.memref_slice %arg7[%dma_wait3A_60] : memref<512xi32, #tpu.memory_space<vmem>> -> memref<128xi32, #tpu.memory_space<vmem>>
    %dma_wait3A_62 = arith.constant 0 : i32
    %dma_wait3A_63 = arith.constant 0 : i32
    %dma_wait3A_64 = tpu.memref_slice %arg2[%dma_wait3A_62, %dma_wait3A_63] : memref<100000x64xf32, #tpu.memory_space<hbm>> -> memref<100000x64xf32, #tpu.memory_space<hbm>>
    tpu.wait_indirect_dma semaphore(%arg11 : memref<!tpu.dma_semaphore, #tpu.memory_space<semaphore_mem>>) src(%dma_wait3A_64 : memref<100000x64xf32, #tpu.memory_space<hbm>>) dst(%dma_wait3A_59 : memref<128x64xf32, #tpu.memory_space<vmem>>)
    "tpu.region"() ({
      %run_scoped3A = tpu.sem_alloc : memref<!tpu.dma_semaphore, #tpu.memory_space<semaphore_mem>>
      %dma_start3A_67 = arith.constant 0 : i32
      %dma_start3A_68 = tpu.memref_slice %arg5[%mul3A_2, %dma_start3A_67] : memref<16384x64xf32, #tpu.memory_space<hbm>> -> memref<512x64xf32, #tpu.memory_space<hbm>>
      %dma_start3A_69 = arith.constant 0 : i32
      %dma_start3A_70 = tpu.memref_slice %arg5[%mul3A_2, %dma_start3A_69] : memref<16384x64xf32, #tpu.memory_space<hbm>> -> memref<512x64xf32, #tpu.memory_space<hbm>>
      tpu.enqueue_dma source(%arg8 : memref<512x64xf32, #tpu.memory_space<vmem>>) target(%dma_start3A_70 : memref<512x64xf32, #tpu.memory_space<hbm>>) target_semaphore(%run_scoped3A : memref<!tpu.dma_semaphore, #tpu.memory_space<semaphore_mem>>)
      %dma_wait3A_71 = arith.constant 0 : i32
      %dma_wait3A_72 = tpu.memref_slice %arg5[%mul3A_2, %dma_wait3A_71] : memref<16384x64xf32, #tpu.memory_space<hbm>> -> memref<512x64xf32, #tpu.memory_space<hbm>>
      %dma_wait3A_73 = arith.constant 0 : i32
      %dma_wait3A_74 = tpu.memref_slice %arg5[%mul3A_2, %dma_wait3A_73] : memref<16384x64xf32, #tpu.memory_space<hbm>> -> memref<512x64xf32, #tpu.memory_space<hbm>>
      tpu.wait_dma2 semaphore(%run_scoped3A : memref<!tpu.dma_semaphore, #tpu.memory_space<semaphore_mem>>) src(%arg8 : memref<512x64xf32, #tpu.memory_space<vmem>>) dst(%dma_wait3A_74 : memref<512x64xf32, #tpu.memory_space<hbm>>)
      tpu.yield
    }) : () -> ()
    %eq3A = arith.constant 0 : i32
    %eq3A_65 = arith.cmpi eq, %add3A, %eq3A : i32
    %convert_element_type3A = arith.extui %eq3A_65 : i1 to i32
    %cond3A = arith.constant 0 : i32
    %cond3A_66 = arith.cmpi ne, %convert_element_type3A, %cond3A : i32
    scf.if %cond3A_66 {
      "tpu.region"() ({
        %run_scoped3A = tpu.sem_alloc : memref<!tpu.dma_semaphore, #tpu.memory_space<semaphore_mem>>
        tpu.enqueue_dma source(%arg4 : memref<32xi32, #tpu.memory_space<hbm>>) target(%arg9 : memref<32xi32, #tpu.memory_space<vmem>>) target_semaphore(%run_scoped3A : memref<!tpu.dma_semaphore, #tpu.memory_space<semaphore_mem>>)
        tpu.wait_dma2 semaphore(%run_scoped3A : memref<!tpu.dma_semaphore, #tpu.memory_space<semaphore_mem>>) src(%arg4 : memref<32xi32, #tpu.memory_space<hbm>>) dst(%arg9 : memref<32xi32, #tpu.memory_space<vmem>>)
        tpu.yield
      }) : () -> ()
      %get3A = arith.constant 0 : index
      %get3A_67 = tpu.vector_load %arg9[%get3A] {strides = array<i32>} : memref<32xi32, #tpu.memory_space<vmem>>, vector<16xi32>,
      %min3A = arith.constant 99999 : i32
      %min3A_68 = vector.broadcast %min3A : i32 to vector<16xi32>
      %min3A_69 = arith.minsi %get3A_67, %min3A_68 : vector<16xi32>
      %swap3A = arith.constant 0 : index
      %swap3A_70 = tpu.vector_load %arg9[%swap3A] {strides = array<i32>} : memref<32xi32, #tpu.memory_space<vmem>>, vector<16xi32>,
      tpu.vector_store %arg9[%swap3A], %min3A_69 {strides = array<i32>} : memref<32xi32, #tpu.memory_space<vmem>>, vector<16xi32>,
      %get3A_71 = arith.constant 16 : index
      %get3A_72 = tpu.vector_load %arg9[%get3A_71] {strides = array<i32>} : memref<32xi32, #tpu.memory_space<vmem>>, vector<16xi32>,
      %min3A_73 = arith.constant 99999 : i32
      %min3A_74 = vector.broadcast %min3A_73 : i32 to vector<16xi32>
      %min3A_75 = arith.minsi %get3A_72, %min3A_74 : vector<16xi32>
      %swap3A_76 = arith.constant 16 : index
      %swap3A_77 = tpu.vector_load %arg9[%swap3A_76] {strides = array<i32>} : memref<32xi32, #tpu.memory_space<vmem>>, vector<16xi32>,
      tpu.vector_store %arg9[%swap3A_76], %min3A_75 {strides = array<i32>} : memref<32xi32, #tpu.memory_space<vmem>>, vector<16xi32>,
      %dma_start3A_78 = arith.constant 0 : i32
      %dma_start3A_79 = arith.constant 0 : i32
      %dma_start3A_80 = tpu.memref_slice %arg2[%dma_start3A_78, %dma_start3A_79] : memref<100000x64xf32, #tpu.memory_space<hbm>> -> memref<100000x64xf32, #tpu.memory_space<hbm>>
      tpu.enqueue_indirect_dma source(%dma_start3A_80 : memref<100000x64xf32, #tpu.memory_space<hbm>>) target(%arg10 : memref<32x64xf32, #tpu.memory_space<vmem>>) offsets(%arg9 : memref<32xi32, #tpu.memory_space<vmem>>) semaphore(%arg11 : memref<!tpu.dma_semaphore, #tpu.memory_space<semaphore_mem>>)
      %dma_wait3A_81 = arith.constant 0 : i32
      %dma_wait3A_82 = arith.constant 0 : i32
      %dma_wait3A_83 = tpu.memref_slice %arg2[%dma_wait3A_81, %dma_wait3A_82] : memref<100000x64xf32, #tpu.memory_space<hbm>> -> memref<100000x64xf32, #tpu.memory_space<hbm>>
      tpu.wait_indirect_dma semaphore(%arg11 : memref<!tpu.dma_semaphore, #tpu.memory_space<semaphore_mem>>) src(%dma_wait3A_83 : memref<100000x64xf32, #tpu.memory_space<hbm>>) dst(%arg10 : memref<32x64xf32, #tpu.memory_space<vmem>>)
      "tpu.region"() ({
        %run_scoped3A = tpu.sem_alloc : memref<!tpu.dma_semaphore, #tpu.memory_space<semaphore_mem>>
        tpu.enqueue_dma source(%arg10 : memref<32x64xf32, #tpu.memory_space<vmem>>) target(%arg6 : memref<32x64xf32, #tpu.memory_space<hbm>>) target_semaphore(%run_scoped3A : memref<!tpu.dma_semaphore, #tpu.memory_space<semaphore_mem>>)
        tpu.wait_dma2 semaphore(%run_scoped3A : memref<!tpu.dma_semaphore, #tpu.memory_space<semaphore_mem>>) src(%arg10 : memref<32x64xf32, #tpu.memory_space<vmem>>) dst(%arg6 : memref<32x64xf32, #tpu.memory_space<hbm>>)
        tpu.yield
      }) : () -> ()
    } else {
    }
    return
  }
}

module attributes {stable_mosaic.version = 14 : i64} {
  func.func @_dense_body(%arg0: memref<16384x64xf32, #tpu.memory_space<vmem>>, %arg1: memref<16384xi32, #tpu.memory_space<vmem>>, %arg2: memref<16x64xf32, #tpu.memory_space<vmem>>, %arg3: memref<64x20xf32, #tpu.memory_space<vmem>>, %arg4: memref<20xf32, #tpu.memory_space<vmem>>, %arg5: memref<32x64xf32, #tpu.memory_space<vmem>>, %arg6: memref<2x16xi32, #tpu.memory_space<vmem>>, %arg7: memref<2x16xi32, #tpu.memory_space<vmem>>, %arg8: memref<2x16xi32, #tpu.memory_space<vmem>>, %arg9: memref<2x3x192xf32, #tpu.memory_space<vmem>>, %arg10: memref<2x3xf32, #tpu.memory_space<vmem>>, %arg11: memref<2x272x64xf32, #tpu.memory_space<vmem>>) attributes {dimension_semantics = [], scalar_prefetch = 0 : i64, scratch_operands = 0 : i64, tpu.core_type = #tpu.core_type<tc>} {
    %get3A = arith.constant 0 : index
    %get3A_0 = arith.constant 0 : index
    %get3A_1 = vector.load %arg0[%get3A, %get3A_0] : memref<16384x64xf32, #tpu.memory_space<vmem>>, vector<16384x64xf32>
    %get3A_2 = arith.constant 0 : index
    %get3A_3 = arith.constant 0 : index
    %get3A_4 = vector.load %arg3[%get3A_2, %get3A_3] : memref<64x20xf32, #tpu.memory_space<vmem>>, vector<64x20xf32>
    %dot_general3A = arith.constant dense<0.000000e+00> : vector<16384x20xf32>
    %dot_general3A_5 = tpu.matmul %get3A_1, %get3A_4, %dot_general3A {dimension_numbers = #tpu.dot_dimension_numbers<[1], [0], [0], [1], [0, 0, 1, 1], [], []>, transpose_lhs_hint = false} : vector<16384x64xf32>, vector<64x20xf32>, vector<16384x20xf32> -> vector<16384x20xf32>
    %tanh3A = math.tanh %dot_general3A_5 : vector<16384x20xf32>
    %get3A_6 = arith.constant 0 : index
    %get3A_7 = vector.load %arg4[%get3A_6] : memref<20xf32, #tpu.memory_space<vmem>>, vector<20xf32>
    %broadcast_in_dim3A = vector.shape_cast %get3A_7 : vector<20xf32> to vector<1x20xf32>
    %mul3A = vector.broadcast %broadcast_in_dim3A : vector<1x20xf32> to vector<16384x20xf32>
    %mul3A_8 = arith.mulf %tanh3A, %mul3A : vector<16384x20xf32>
    %reduce_sum3A = arith.constant dense<0.000000e+00> : vector<16384xf32>
    %reduce_sum3A_9 = vector.multi_reduction <add>, %mul3A_8, %reduce_sum3A [1] : vector<16384x20xf32> to vector<16384xf32>
    %broadcast_in_dim3A_10 = vector.shape_cast %reduce_sum3A_9 : vector<16384xf32> to vector<16384x1xf32>
    %exp3A = math.exp %broadcast_in_dim3A_10 : vector<16384x1xf32>
    %iota3A = tpu.iota {dimensions = array<i32: 0>} : vector<16x16384xi32>
    %get3A_11 = arith.constant 0 : index
    %get3A_12 = vector.load %arg1[%get3A_11] : memref<16384xi32, #tpu.memory_space<vmem>>, vector<16384xi32>
    %reshape3A = vector.shape_cast %get3A_12 : vector<16384xi32> to vector<1x16384xi32>
    %eq3A = vector.broadcast %reshape3A : vector<1x16384xi32> to vector<16x16384xi32>
    %eq3A_13 = arith.cmpi eq, %iota3A, %eq3A : vector<16x16384xi32>
    %convert_element_type3A = arith.extui %eq3A_13 : vector<16x16384xi1> to vector<16x16384xi32>
    %convert_element_type3A_14 = arith.sitofp %convert_element_type3A : vector<16x16384xi32> to vector<16x16384xf32>
    %dot_general3A_15 = arith.constant dense<0.000000e+00> : vector<16x1xf32>
    %dot_general3A_16 = tpu.matmul %convert_element_type3A_14, %exp3A, %dot_general3A_15 {dimension_numbers = #tpu.dot_dimension_numbers<[1], [0], [0], [1], [0, 0, 1, 1], [], []>, transpose_lhs_hint = false} : vector<16x16384xf32>, vector<16384x1xf32>, vector<16x1xf32> -> vector<16x1xf32>
    %mul3A_17 = vector.broadcast %exp3A : vector<16384x1xf32> to vector<16384x64xf32>
    %mul3A_18 = arith.mulf %get3A_1, %mul3A_17 : vector<16384x64xf32>
    %dot_general3A_19 = arith.constant dense<0.000000e+00> : vector<16x64xf32>
    %dot_general3A_20 = tpu.matmul %convert_element_type3A_14, %mul3A_18, %dot_general3A_19 {dimension_numbers = #tpu.dot_dimension_numbers<[1], [0], [0], [1], [0, 0, 1, 1], [], []>, transpose_lhs_hint = false} : vector<16x16384xf32>, vector<16384x64xf32>, vector<16x64xf32> -> vector<16x64xf32>
    %gt3A = arith.constant 0.000000e+00 : f32
    %gt3A_21 = vector.broadcast %gt3A : f32 to vector<16x1xf32>
    %gt3A_22 = arith.cmpf ogt, %dot_general3A_16, %gt3A_21 : vector<16x1xf32>
    %jit3A = arith.constant 1.000000e+00 : f32
    %broadcast_in_dim3A_23 = vector.broadcast %jit3A : f32 to vector<16x1xf32>
    %select_n3A = arith.select %gt3A_22, %dot_general3A_16, %broadcast_in_dim3A_23 : vector<16x1xi1>, vector<16x1xf32>
    %div3A = vector.broadcast %select_n3A : vector<16x1xf32> to vector<16x64xf32>
    %div3A_24 = arith.divf %dot_general3A_20, %div3A : vector<16x64xf32>
    %get3A_25 = arith.constant 0 : index
    %get3A_26 = arith.constant 0 : index
    %get3A_27 = vector.load %arg2[%get3A_25, %get3A_26] : memref<16x64xf32, #tpu.memory_space<vmem>>, vector<16x64xf32>
    %concatenate3A = tpu.concatenate %get3A_27, %div3A_24 in 1 : vector<16x64xf32>, vector<16x64xf32> -> vector<16x128xf32>
    %iota3A_28 = tpu.iota {dimensions = array<i32: 1>} : vector<16x16xi32>
    %iota3A_29 = tpu.iota {dimensions = array<i32: 0>} : vector<256x16xi32>
    %iota3A_30 = tpu.iota {dimensions = array<i32: 1>} : vector<256x16xi32>
    %jit3A_31 = arith.constant 16 : i32
    %div3A_32 = vector.broadcast %jit3A_31 : i32 to vector<256x16xi32>
    %div3A_33 = arith.divsi %iota3A_29, %div3A_32 : vector<256x16xi32>
    %sign3A = arith.constant 0 : i32
    %sign3A_34 = vector.broadcast %sign3A : i32 to vector<256x16xi32>
    %sign3A_35 = arith.cmpi sgt, %iota3A_29, %sign3A_34 : vector<256x16xi32>
    %sign3A_36 = arith.extui %sign3A_35 : vector<256x16xi1> to vector<256x16xi32>
    %sign3A_37 = arith.constant 0 : i32
    %sign3A_38 = vector.broadcast %sign3A_37 : i32 to vector<256x16xi32>
    %sign3A_39 = arith.cmpi slt, %iota3A_29, %sign3A_38 : vector<256x16xi32>
    %sign3A_40 = arith.extui %sign3A_39 : vector<256x16xi1> to vector<256x16xi32>
    %sign3A_41 = arith.subi %sign3A_36, %sign3A_40 : vector<256x16xi32>
    %sign3A_42 = arith.constant 0 : i32
    %sign3A_43 = arith.cmpi sgt, %jit3A_31, %sign3A_42 : i32
    %sign3A_44 = arith.extui %sign3A_43 : i1 to i32
    %sign3A_45 = arith.constant 0 : i32
    %sign3A_46 = arith.cmpi slt, %jit3A_31, %sign3A_45 : i32
    %sign3A_47 = arith.extui %sign3A_46 : i1 to i32
    %sign3A_48 = arith.subi %sign3A_44, %sign3A_47 : i32
    %ne3A = vector.broadcast %sign3A_48 : i32 to vector<256x16xi32>
    %ne3A_49 = arith.cmpi ne, %sign3A_41, %ne3A : vector<256x16xi32>
    %rem3A = vector.broadcast %jit3A_31 : i32 to vector<256x16xi32>
    %rem3A_50 = arith.remsi %iota3A_29, %rem3A : vector<256x16xi32>
    %ne3A_51 = arith.constant 0 : i32
    %ne3A_52 = vector.broadcast %ne3A_51 : i32 to vector<256x16xi32>
    %ne3A_53 = arith.cmpi ne, %rem3A_50, %ne3A_52 : vector<256x16xi32>
    %and3A = arith.andi %ne3A_49, %ne3A_53 : vector<256x16xi1>
    %sub3A = arith.constant 1 : i32
    %sub3A_54 = vector.broadcast %sub3A : i32 to vector<256x16xi32>
    %sub3A_55 = arith.subi %div3A_33, %sub3A_54 : vector<256x16xi32>
    %select_n3A_56 = arith.select %and3A, %sub3A_55, %div3A_33 : vector<256x16xi1>, vector<256x16xi32>
    %eq3A_57 = arith.cmpi eq, %select_n3A_56, %iota3A_30 : vector<256x16xi32>
    %convert_element_type3A_58 = arith.extui %eq3A_57 : vector<256x16xi1> to vector<256x16xi32>
    %convert_element_type3A_59 = arith.sitofp %convert_element_type3A_58 : vector<256x16xi32> to vector<256x16xf32>
    %jit3A_60 = arith.constant 16 : i32
    %eq3A_61 = arith.constant 0 : i32
    %eq3A_62 = arith.cmpi eq, %jit3A_60, %eq3A_61 : i32
    %jit3A_63 = arith.constant 1 : i32
    %select_n3A_64 = arith.select %eq3A_62, %jit3A_63, %jit3A_60 : i32
    %rem3A_65 = vector.broadcast %select_n3A_64 : i32 to vector<256x16xi32>
    %rem3A_66 = arith.remsi %iota3A_29, %rem3A_65 : vector<256x16xi32>
    %ne3A_67 = arith.constant 0 : i32
    %ne3A_68 = vector.broadcast %ne3A_67 : i32 to vector<256x16xi32>
    %ne3A_69 = arith.cmpi ne, %rem3A_66, %ne3A_68 : vector<256x16xi32>
    %lt3A = arith.constant 0 : i32
    %lt3A_70 = vector.broadcast %lt3A : i32 to vector<256x16xi32>
    %lt3A_71 = arith.cmpi slt, %rem3A_66, %lt3A_70 : vector<256x16xi32>
    %lt3A_72 = arith.constant 0 : i32
    %lt3A_73 = arith.cmpi slt, %select_n3A_64, %lt3A_72 : i32
    %ne3A_74 = vector.broadcast %lt3A_73 : i1 to vector<256x16xi1>
    %ne3A_75 = vector.broadcast %ne3A_74 : vector<256x16xi1> to vector<256x16xi1>
    %ne3A_76 = arith.xori %lt3A_71, %ne3A_75 : vector<256x16xi1>
    %and3A_77 = arith.andi %ne3A_76, %ne3A_69 : vector<256x16xi1>
    %add3A = vector.broadcast %select_n3A_64 : i32 to vector<256x16xi32>
    %add3A_78 = arith.addi %rem3A_66, %add3A : vector<256x16xi32>
    %select_n3A_79 = arith.select %and3A_77, %add3A_78, %rem3A_66 : vector<256x16xi1>, vector<256x16xi32>
    %eq3A_80 = arith.cmpi eq, %select_n3A_79, %iota3A_30 : vector<256x16xi32>
    %convert_element_type3A_81 = arith.extui %eq3A_80 : vector<256x16xi1> to vector<256x16xi32>
    %convert_element_type3A_82 = arith.sitofp %convert_element_type3A_81 : vector<256x16xi32> to vector<256x16xf32>
    %dot_general3A_83 = arith.constant dense<0.000000e+00> : vector<256x64xf32>
    %dot_general3A_84 = tpu.matmul %convert_element_type3A_59, %get3A_27, %dot_general3A_83 {dimension_numbers = #tpu.dot_dimension_numbers<[1], [0], [0], [1], [0, 0, 1, 1], [], []>, precision = #tpu.contract_precision<fp32>, transpose_lhs_hint = false} : vector<256x16xf32>, vector<16x64xf32>, vector<256x64xf32> -> vector<256x64xf32>
    %dot_general3A_85 = arith.constant dense<0.000000e+00> : vector<256x64xf32>
    %dot_general3A_86 = tpu.matmul %convert_element_type3A_59, %div3A_24, %dot_general3A_85 {dimension_numbers = #tpu.dot_dimension_numbers<[1], [0], [0], [1], [0, 0, 1, 1], [], []>, precision = #tpu.contract_precision<fp32>, transpose_lhs_hint = false} : vector<256x16xf32>, vector<16x64xf32>, vector<256x64xf32> -> vector<256x64xf32>
    %get3A_87 = arith.constant 0 : index
    %get3A_88 = arith.constant 0 : index
    %get3A_89 = vector.load %arg7[%get3A_87, %get3A_88] : memref<2x16xi32, #tpu.memory_space<vmem>>, vector<1x16xi32>
    %get3A_90 = vector.shape_cast %get3A_89 : vector<1x16xi32> to vector<16xi32>
    %broadcast_in_dim3A_91 = vector.shape_cast %get3A_90 : vector<16xi32> to vector<16x1xi32>
    %eq3A_92 = vector.broadcast %broadcast_in_dim3A_91 : vector<16x1xi32> to vector<16x16xi32>
    %eq3A_93 = arith.cmpi eq, %eq3A_92, %iota3A_28 : vector<16x16xi32>
    %convert_element_type3A_94 = arith.extui %eq3A_93 : vector<16x16xi1> to vector<16x16xi32>
    %convert_element_type3A_95 = arith.sitofp %convert_element_type3A_94 : vector<16x16xi32> to vector<16x16xf32>
    %dot_general3A_96 = arith.constant dense<0.000000e+00> : vector<16x128xf32>
    %dot_general3A_97 = tpu.matmul %convert_element_type3A_95, %concatenate3A, %dot_general3A_96 {dimension_numbers = #tpu.dot_dimension_numbers<[1], [0], [0], [1], [0, 0, 1, 1], [], []>, precision = #tpu.contract_precision<fp32>, transpose_lhs_hint = false} : vector<16x16xf32>, vector<16x128xf32>, vector<16x128xf32> -> vector<16x128xf32>
    %get3A_98 = arith.constant 0 : index
    %get3A_99 = arith.constant 0 : index
    %get3A_100 = vector.load %arg6[%get3A_98, %get3A_99] : memref<2x16xi32, #tpu.memory_space<vmem>>, vector<1x16xi32>
    %get3A_101 = vector.shape_cast %get3A_100 : vector<1x16xi32> to vector<16xi32>
    %get3A_102 = arith.constant 0 : index
    %get3A_103 = arith.constant 0 : index
    %get3A_104 = vector.load %arg5[%get3A_102, %get3A_103] : memref<32x64xf32, #tpu.memory_space<vmem>>, vector<16x64xf32>
    %lt3A_105 = arith.constant 100000 : i32
    %lt3A_106 = vector.broadcast %lt3A_105 : i32 to vector<16xi32>
    %lt3A_107 = arith.cmpi slt, %get3A_101, %lt3A_106 : vector<16xi32>
    %convert_element_type3A_108 = arith.extui %lt3A_107 : vector<16xi1> to vector<16xi32>
    %convert_element_type3A_109 = arith.sitofp %convert_element_type3A_108 : vector<16xi32> to vector<16xf32>
    %broadcast_in_dim3A_110 = vector.shape_cast %convert_element_type3A_109 : vector<16xf32> to vector<16x1xf32>
    %mul3A_111 = vector.broadcast %broadcast_in_dim3A_110 : vector<16x1xf32> to vector<16x64xf32>
    %mul3A_112 = arith.mulf %get3A_104, %mul3A_111 : vector<16x64xf32>
    %concatenate3A_113 = tpu.concatenate %dot_general3A_97, %mul3A_112 in 1 : vector<16x128xf32>, vector<16x64xf32> -> vector<16x192xf32>
    %get3A_114 = arith.constant 0 : index
    %get3A_115 = arith.constant 0 : index
    %get3A_116 = arith.constant 0 : index
    %get3A_117 = vector.load %arg9[%get3A_114, %get3A_115, %get3A_116] : memref<2x3x192xf32, #tpu.memory_space<vmem>>, vector<1x3x192xf32>
    %get3A_118 = vector.shape_cast %get3A_117 : vector<1x3x192xf32> to vector<3x192xf32>
    %dot_general3A_119 = arith.constant dense<0.000000e+00> : vector<16x3xf32>
    %dot_general3A_120 = tpu.matmul %concatenate3A_113, %get3A_118, %dot_general3A_119 {dimension_numbers = #tpu.dot_dimension_numbers<[1], [1], [0], [0], [0, 0, 1, 0], [], []>, precision = #tpu.contract_precision<fp32>, transpose_lhs_hint = false} : vector<16x192xf32>, vector<3x192xf32>, vector<16x3xf32> -> vector<16x3xf32>
    %get3A_121 = arith.constant 0 : index
    %get3A_122 = arith.constant 0 : index
    %get3A_123 = vector.load %arg10[%get3A_121, %get3A_122] : memref<2x3xf32, #tpu.memory_space<vmem>>, vector<1x3xf32>
    %get3A_124 = vector.shape_cast %get3A_123 : vector<1x3xf32> to vector<3xf32>
    %broadcast_in_dim3A_125 = vector.shape_cast %get3A_124 : vector<3xf32> to vector<1x3xf32>
    %add3A_126 = vector.broadcast %broadcast_in_dim3A_125 : vector<1x3xf32> to vector<16x3xf32>
    %add3A_127 = arith.addf %dot_general3A_120, %add3A_126 : vector<16x3xf32>
    %logistic3A = arith.negf %add3A_127 : vector<16x3xf32>
    %logistic3A_128 = math.exp %logistic3A : vector<16x3xf32>
    %logistic3A_129 = arith.constant 1.000000e+00 : f32
    %logistic3A_130 = vector.broadcast %logistic3A_129 : f32 to vector<16x3xf32>
    %logistic3A_131 = arith.addf %logistic3A_130, %logistic3A_128 : vector<16x3xf32>
    %logistic3A_132 = arith.divf %logistic3A_130, %logistic3A_131 : vector<16x3xf32>
    %get3A_133 = arith.constant 0 : index
    %get3A_134 = arith.constant 0 : index
    %get3A_135 = vector.load %arg8[%get3A_133, %get3A_134] : memref<2x16xi32, #tpu.memory_space<vmem>>, vector<1x16xi32>
    %get3A_136 = vector.shape_cast %get3A_135 : vector<1x16xi32> to vector<16xi32>
    %broadcast_in_dim3A_137 = vector.shape_cast %get3A_136 : vector<16xi32> to vector<16x1xi32>
    %eq3A_138 = arith.constant 0 : i32
    %eq3A_139 = vector.broadcast %eq3A_138 : i32 to vector<16x1xi32>
    %eq3A_140 = arith.cmpi eq, %broadcast_in_dim3A_137, %eq3A_139 : vector<16x1xi32>
    %slice3A = vector.extract_strided_slice %logistic3A_132 {offsets = [0, 0], sizes = [16, 1], strides = [1, 1]} : vector<16x3xf32> to vector<16x1xf32>
    %eq3A_141 = arith.constant 1 : i32
    %eq3A_142 = vector.broadcast %eq3A_141 : i32 to vector<16x1xi32>
    %eq3A_143 = arith.cmpi eq, %broadcast_in_dim3A_137, %eq3A_142 : vector<16x1xi32>
    %slice3A_144 = vector.extract_strided_slice %logistic3A_132 {offsets = [0, 1], sizes = [16, 1], strides = [1, 1]} : vector<16x3xf32> to vector<16x1xf32>
    %slice3A_145 = vector.extract_strided_slice %logistic3A_132 {offsets = [0, 2], sizes = [16, 1], strides = [1, 1]} : vector<16x3xf32> to vector<16x1xf32>
    %select_n3A_146 = arith.select %eq3A_143, %slice3A_144, %slice3A_145 : vector<16x1xi1>, vector<16x1xf32>
    %select_n3A_147 = arith.select %eq3A_140, %slice3A, %select_n3A_146 : vector<16x1xi1>, vector<16x1xf32>
    %dot_general3A_148 = arith.constant dense<0.000000e+00> : vector<256x1xf32>
    %dot_general3A_149 = tpu.matmul %convert_element_type3A_82, %select_n3A_147, %dot_general3A_148 {dimension_numbers = #tpu.dot_dimension_numbers<[1], [0], [0], [1], [0, 0, 1, 1], [], []>, precision = #tpu.contract_precision<fp32>, transpose_lhs_hint = false} : vector<256x16xf32>, vector<16x1xf32>, vector<256x1xf32> -> vector<256x1xf32>
    %mul3A_150 = vector.broadcast %dot_general3A_149 : vector<256x1xf32> to vector<256x64xf32>
    %mul3A_151 = arith.mulf %dot_general3A_84, %mul3A_150 : vector<256x64xf32>
    %sub3A_152 = arith.constant 1.000000e+00 : f32
    %sub3A_153 = vector.broadcast %sub3A_152 : f32 to vector<256x1xf32>
    %sub3A_154 = arith.subf %sub3A_153, %dot_general3A_149 : vector<256x1xf32>
    %mul3A_155 = vector.broadcast %sub3A_154 : vector<256x1xf32> to vector<256x64xf32>
    %mul3A_156 = arith.mulf %dot_general3A_86, %mul3A_155 : vector<256x64xf32>
    %add3A_157 = arith.addf %mul3A_151, %mul3A_156 : vector<256x64xf32>
    %swap3A = arith.constant 0 : index
    %swap3A_158 = arith.constant 0 : index
    %swap3A_159 = arith.constant 0 : index
    %swap3A_160 = vector.load %arg11[%swap3A, %swap3A_158, %swap3A_159] : memref<2x272x64xf32, #tpu.memory_space<vmem>>, vector<1x256x64xf32>
    %swap3A_161 = vector.shape_cast %swap3A_160 : vector<1x256x64xf32> to vector<256x64xf32>
    %swap3A_162 = vector.shape_cast %add3A_157 : vector<256x64xf32> to vector<1x256x64xf32>
    tpu.vector_store %arg11[%swap3A, %swap3A_158, %swap3A_159], %swap3A_162 {strides = array<i32>} : memref<2x272x64xf32, #tpu.memory_space<vmem>>, vector<1x256x64xf32>,
    %broadcast_in_dim3A_163 = arith.constant 0.000000e+00 : f32
    %broadcast_in_dim3A_164 = vector.broadcast %broadcast_in_dim3A_163 : f32 to vector<16x64xf32>
    %swap3A_165 = arith.constant 0 : index
    %swap3A_166 = arith.constant 256 : index
    %swap3A_167 = arith.constant 0 : index
    %swap3A_168 = vector.load %arg11[%swap3A_165, %swap3A_166, %swap3A_167] : memref<2x272x64xf32, #tpu.memory_space<vmem>>, vector<1x16x64xf32>
    %swap3A_169 = vector.shape_cast %swap3A_168 : vector<1x16x64xf32> to vector<16x64xf32>
    %swap3A_170 = vector.shape_cast %broadcast_in_dim3A_164 : vector<16x64xf32> to vector<1x16x64xf32>
    tpu.vector_store %arg11[%swap3A_165, %swap3A_166, %swap3A_167], %swap3A_170 {strides = array<i32>} : memref<2x272x64xf32, #tpu.memory_space<vmem>>, vector<1x16x64xf32>,
    %get3A_171 = arith.constant 1 : index
    %get3A_172 = arith.constant 0 : index
    %get3A_173 = vector.load %arg7[%get3A_171, %get3A_172] : memref<2x16xi32, #tpu.memory_space<vmem>>, vector<1x16xi32>
    %get3A_174 = vector.shape_cast %get3A_173 : vector<1x16xi32> to vector<16xi32>
    %broadcast_in_dim3A_175 = vector.shape_cast %get3A_174 : vector<16xi32> to vector<16x1xi32>
    %eq3A_176 = vector.broadcast %broadcast_in_dim3A_175 : vector<16x1xi32> to vector<16x16xi32>
    %eq3A_177 = arith.cmpi eq, %eq3A_176, %iota3A_28 : vector<16x16xi32>
    %convert_element_type3A_178 = arith.extui %eq3A_177 : vector<16x16xi1> to vector<16x16xi32>
    %convert_element_type3A_179 = arith.sitofp %convert_element_type3A_178 : vector<16x16xi32> to vector<16x16xf32>
    %dot_general3A_180 = arith.constant dense<0.000000e+00> : vector<16x128xf32>
    %dot_general3A_181 = tpu.matmul %convert_element_type3A_179, %concatenate3A, %dot_general3A_180 {dimension_numbers = #tpu.dot_dimension_numbers<[1], [0], [0], [1], [0, 0, 1, 1], [], []>, precision = #tpu.contract_precision<fp32>, transpose_lhs_hint = false} : vector<16x16xf32>, vector<16x128xf32>, vector<16x128xf32> -> vector<16x128xf32>
    %get3A_182 = arith.constant 1 : index
    %get3A_183 = arith.constant 0 : index
    %get3A_184 = vector.load %arg6[%get3A_182, %get3A_183] : memref<2x16xi32, #tpu.memory_space<vmem>>, vector<1x16xi32>
    %get3A_185 = vector.shape_cast %get3A_184 : vector<1x16xi32> to vector<16xi32>
    %get3A_186 = arith.constant 16 : index
    %get3A_187 = arith.constant 0 : index
    %get3A_188 = vector.load %arg5[%get3A_186, %get3A_187] : memref<32x64xf32, #tpu.memory_space<vmem>>, vector<16x64xf32>
    %lt3A_189 = arith.constant 100000 : i32
    %lt3A_190 = vector.broadcast %lt3A_189 : i32 to vector<16xi32>
    %lt3A_191 = arith.cmpi slt, %get3A_185, %lt3A_190 : vector<16xi32>
    %convert_element_type3A_192 = arith.extui %lt3A_191 : vector<16xi1> to vector<16xi32>
    %convert_element_type3A_193 = arith.sitofp %convert_element_type3A_192 : vector<16xi32> to vector<16xf32>
    %broadcast_in_dim3A_194 = vector.shape_cast %convert_element_type3A_193 : vector<16xf32> to vector<16x1xf32>
    %mul3A_195 = vector.broadcast %broadcast_in_dim3A_194 : vector<16x1xf32> to vector<16x64xf32>
    %mul3A_196 = arith.mulf %get3A_188, %mul3A_195 : vector<16x64xf32>
    %concatenate3A_197 = tpu.concatenate %dot_general3A_181, %mul3A_196 in 1 : vector<16x128xf32>, vector<16x64xf32> -> vector<16x192xf32>
    %get3A_198 = arith.constant 1 : index
    %get3A_199 = arith.constant 0 : index
    %get3A_200 = arith.constant 0 : index
    %get3A_201 = vector.load %arg9[%get3A_198, %get3A_199, %get3A_200] : memref<2x3x192xf32, #tpu.memory_space<vmem>>, vector<1x3x192xf32>
    %get3A_202 = vector.shape_cast %get3A_201 : vector<1x3x192xf32> to vector<3x192xf32>
    %dot_general3A_203 = arith.constant dense<0.000000e+00> : vector<16x3xf32>
    %dot_general3A_204 = tpu.matmul %concatenate3A_197, %get3A_202, %dot_general3A_203 {dimension_numbers = #tpu.dot_dimension_numbers<[1], [1], [0], [0], [0, 0, 1, 0], [], []>, precision = #tpu.contract_precision<fp32>, transpose_lhs_hint = false} : vector<16x192xf32>, vector<3x192xf32>, vector<16x3xf32> -> vector<16x3xf32>
    %get3A_205 = arith.constant 1 : index
    %get3A_206 = arith.constant 0 : index
    %get3A_207 = vector.load %arg10[%get3A_205, %get3A_206] : memref<2x3xf32, #tpu.memory_space<vmem>>, vector<1x3xf32>
    %get3A_208 = vector.shape_cast %get3A_207 : vector<1x3xf32> to vector<3xf32>
    %broadcast_in_dim3A_209 = vector.shape_cast %get3A_208 : vector<3xf32> to vector<1x3xf32>
    %add3A_210 = vector.broadcast %broadcast_in_dim3A_209 : vector<1x3xf32> to vector<16x3xf32>
    %add3A_211 = arith.addf %dot_general3A_204, %add3A_210 : vector<16x3xf32>
    %logistic3A_212 = arith.negf %add3A_211 : vector<16x3xf32>
    %logistic3A_213 = math.exp %logistic3A_212 : vector<16x3xf32>
    %logistic3A_214 = arith.constant 1.000000e+00 : f32
    %logistic3A_215 = vector.broadcast %logistic3A_214 : f32 to vector<16x3xf32>
    %logistic3A_216 = arith.addf %logistic3A_215, %logistic3A_213 : vector<16x3xf32>
    %logistic3A_217 = arith.divf %logistic3A_215, %logistic3A_216 : vector<16x3xf32>
    %get3A_218 = arith.constant 1 : index
    %get3A_219 = arith.constant 0 : index
    %get3A_220 = vector.load %arg8[%get3A_218, %get3A_219] : memref<2x16xi32, #tpu.memory_space<vmem>>, vector<1x16xi32>
    %get3A_221 = vector.shape_cast %get3A_220 : vector<1x16xi32> to vector<16xi32>
    %broadcast_in_dim3A_222 = vector.shape_cast %get3A_221 : vector<16xi32> to vector<16x1xi32>
    %eq3A_223 = arith.constant 0 : i32
    %eq3A_224 = vector.broadcast %eq3A_223 : i32 to vector<16x1xi32>
    %eq3A_225 = arith.cmpi eq, %broadcast_in_dim3A_222, %eq3A_224 : vector<16x1xi32>
    %slice3A_226 = vector.extract_strided_slice %logistic3A_217 {offsets = [0, 0], sizes = [16, 1], strides = [1, 1]} : vector<16x3xf32> to vector<16x1xf32>
    %eq3A_227 = arith.constant 1 : i32
    %eq3A_228 = vector.broadcast %eq3A_227 : i32 to vector<16x1xi32>
    %eq3A_229 = arith.cmpi eq, %broadcast_in_dim3A_222, %eq3A_228 : vector<16x1xi32>
    %slice3A_230 = vector.extract_strided_slice %logistic3A_217 {offsets = [0, 1], sizes = [16, 1], strides = [1, 1]} : vector<16x3xf32> to vector<16x1xf32>
    %slice3A_231 = vector.extract_strided_slice %logistic3A_217 {offsets = [0, 2], sizes = [16, 1], strides = [1, 1]} : vector<16x3xf32> to vector<16x1xf32>
    %select_n3A_232 = arith.select %eq3A_229, %slice3A_230, %slice3A_231 : vector<16x1xi1>, vector<16x1xf32>
    %select_n3A_233 = arith.select %eq3A_225, %slice3A_226, %select_n3A_232 : vector<16x1xi1>, vector<16x1xf32>
    %dot_general3A_234 = arith.constant dense<0.000000e+00> : vector<256x1xf32>
    %dot_general3A_235 = tpu.matmul %convert_element_type3A_82, %select_n3A_233, %dot_general3A_234 {dimension_numbers = #tpu.dot_dimension_numbers<[1], [0], [0], [1], [0, 0, 1, 1], [], []>, precision = #tpu.contract_precision<fp32>, transpose_lhs_hint = false} : vector<256x16xf32>, vector<16x1xf32>, vector<256x1xf32> -> vector<256x1xf32>
    %mul3A_236 = vector.broadcast %dot_general3A_235 : vector<256x1xf32> to vector<256x64xf32>
    %mul3A_237 = arith.mulf %dot_general3A_84, %mul3A_236 : vector<256x64xf32>
    %sub3A_238 = arith.constant 1.000000e+00 : f32
    %sub3A_239 = vector.broadcast %sub3A_238 : f32 to vector<256x1xf32>
    %sub3A_240 = arith.subf %sub3A_239, %dot_general3A_235 : vector<256x1xf32>
    %mul3A_241 = vector.broadcast %sub3A_240 : vector<256x1xf32> to vector<256x64xf32>
    %mul3A_242 = arith.mulf %dot_general3A_86, %mul3A_241 : vector<256x64xf32>
    %add3A_243 = arith.addf %mul3A_237, %mul3A_242 : vector<256x64xf32>
    %swap3A_244 = arith.constant 1 : index
    %swap3A_245 = arith.constant 0 : index
    %swap3A_246 = arith.constant 0 : index
    %swap3A_247 = vector.load %arg11[%swap3A_244, %swap3A_245, %swap3A_246] : memref<2x272x64xf32, #tpu.memory_space<vmem>>, vector<1x256x64xf32>
    %swap3A_248 = vector.shape_cast %swap3A_247 : vector<1x256x64xf32> to vector<256x64xf32>
    %swap3A_249 = vector.shape_cast %add3A_243 : vector<256x64xf32> to vector<1x256x64xf32>
    tpu.vector_store %arg11[%swap3A_244, %swap3A_245, %swap3A_246], %swap3A_249 {strides = array<i32>} : memref<2x272x64xf32, #tpu.memory_space<vmem>>, vector<1x256x64xf32>,
    %broadcast_in_dim3A_250 = arith.constant 0.000000e+00 : f32
    %broadcast_in_dim3A_251 = vector.broadcast %broadcast_in_dim3A_250 : f32 to vector<16x64xf32>
    %swap3A_252 = arith.constant 1 : index
    %swap3A_253 = arith.constant 256 : index
    %swap3A_254 = arith.constant 0 : index
    %swap3A_255 = vector.load %arg11[%swap3A_252, %swap3A_253, %swap3A_254] : memref<2x272x64xf32, #tpu.memory_space<vmem>>, vector<1x16x64xf32>
    %swap3A_256 = vector.shape_cast %swap3A_255 : vector<1x16x64xf32> to vector<16x64xf32>
    %swap3A_257 = vector.shape_cast %broadcast_in_dim3A_251 : vector<16x64xf32> to vector<1x16x64xf32>
    tpu.vector_store %arg11[%swap3A_252, %swap3A_253, %swap3A_254], %swap3A_257 {strides = array<i32>} : memref<2x272x64xf32, #tpu.memory_space<vmem>>, vector<1x16x64xf32>,
    return
  }
}

module attributes {stable_mosaic.version = 14 : i64} {
  func.func @_walk_dot_body(%arg0: i32, %arg1: i32, %arg2: memref<1x272x64xf32, #tpu.memory_space<vmem>>, %arg3: memref<1x1x4096xi32, #tpu.memory_space<vmem>>, %arg4: memref<1x4096x64xf32, #tpu.memory_space<vmem>>, %arg5: memref<1x1x4096xf32, #tpu.memory_space<vmem>>) attributes {dimension_semantics = [#tpu.dimension_semantics<arbitrary>, #tpu.dimension_semantics<arbitrary>], iteration_bounds = array<i64: 2, 8>, scalar_prefetch = 0 : i64, scratch_operands = 0 : i64, tpu.core_type = #tpu.core_type<tc>, window_params = [{transform_indices = @transform_0, window_bounds = array<i64: 1, 272, 64>}, {transform_indices = @transform_1, window_bounds = array<i64: 1, 1, 4096>}, {transform_indices = @transform_2, window_bounds = array<i64: 1, 4096, 64>}, {transform_indices = @transform_3, window_bounds = array<i64: 1, 1, 4096>}]} {
    %get3A = arith.constant 0 : index
    %get3A_0 = arith.constant 0 : index
    %get3A_1 = arith.constant 0 : index
    %get3A_2 = vector.load %arg3[%get3A, %get3A_0, %get3A_1] : memref<1x1x4096xi32, #tpu.memory_space<vmem>>, vector<1x1x4096xi32>
    %get3A_3 = vector.shape_cast %get3A_2 : vector<1x1x4096xi32> to vector<4096xi32>
    %iota3A = tpu.iota {dimensions = array<i32: 1>} : vector<4096x272xi32>
    %broadcast_in_dim3A = vector.shape_cast %get3A_3 : vector<4096xi32> to vector<4096x1xi32>
    %eq3A = vector.broadcast %broadcast_in_dim3A : vector<4096x1xi32> to vector<4096x272xi32>
    %eq3A_4 = arith.cmpi eq, %eq3A, %iota3A : vector<4096x272xi32>
    %convert_element_type3A = arith.extui %eq3A_4 : vector<4096x272xi1> to vector<4096x272xi32>
    %convert_element_type3A_5 = arith.sitofp %convert_element_type3A : vector<4096x272xi32> to vector<4096x272xf32>
    %get3A_6 = arith.constant 0 : index
    %get3A_7 = arith.constant 0 : index
    %get3A_8 = arith.constant 0 : index
    %get3A_9 = vector.load %arg2[%get3A_6, %get3A_7, %get3A_8] : memref<1x272x64xf32, #tpu.memory_space<vmem>>, vector<1x272x64xf32>
    %get3A_10 = vector.shape_cast %get3A_9 : vector<1x272x64xf32> to vector<272x64xf32>
    %dot_general3A = arith.constant dense<0.000000e+00> : vector<4096x64xf32>
    %dot_general3A_11 = tpu.matmul %convert_element_type3A_5, %get3A_10, %dot_general3A {dimension_numbers = #tpu.dot_dimension_numbers<[1], [0], [0], [1], [0, 0, 1, 1], [], []>, precision = #tpu.contract_precision<fp32>, transpose_lhs_hint = false} : vector<4096x272xf32>, vector<272x64xf32>, vector<4096x64xf32> -> vector<4096x64xf32>
    %get3A_12 = arith.constant 0 : index
    %get3A_13 = arith.constant 0 : index
    %get3A_14 = arith.constant 0 : index
    %get3A_15 = vector.load %arg4[%get3A_12, %get3A_13, %get3A_14] : memref<1x4096x64xf32, #tpu.memory_space<vmem>>, vector<1x4096x64xf32>
    %get3A_16 = vector.shape_cast %get3A_15 : vector<1x4096x64xf32> to vector<4096x64xf32>
    %mul3A = arith.mulf %dot_general3A_11, %get3A_16 : vector<4096x64xf32>
    %reduce_sum3A = arith.constant dense<0.000000e+00> : vector<4096xf32>
    %reduce_sum3A_17 = vector.multi_reduction <add>, %mul3A, %reduce_sum3A [1] : vector<4096x64xf32> to vector<4096xf32>
    %swap3A = arith.constant 0 : index
    %swap3A_18 = arith.constant 0 : index
    %swap3A_19 = arith.constant 0 : index
    %swap3A_20 = vector.load %arg5[%swap3A, %swap3A_18, %swap3A_19] : memref<1x1x4096xf32, #tpu.memory_space<vmem>>, vector<1x1x4096xf32>
    %swap3A_21 = vector.shape_cast %swap3A_20 : vector<1x1x4096xf32> to vector<4096xf32>
    %swap3A_22 = vector.shape_cast %reduce_sum3A_17 : vector<4096xf32> to vector<1x1x4096xf32>
    tpu.vector_store %arg5[%swap3A, %swap3A_18, %swap3A_19], %swap3A_22 {strides = array<i32>} : memref<1x1x4096xf32, #tpu.memory_space<vmem>>, vector<1x1x4096xf32>,
    return
  }
  func.func @transform_0(%arg0: i32, %arg1: i32) -> (i32, i32, i32) {
    %c0_i32 = arith.constant 0 : i32
    %c0_i32_0 = arith.constant 0 : i32
    %c0_i32_1 = arith.constant 0 : i32
    return %arg0, %c0_i32, %c0_i32_0 : i32, i32, i32
  }
  func.func @transform_1(%arg0: i32, %arg1: i32) -> (i32, i32, i32) {
    %mul3A = arith.constant 8 : i32
    %mul3A_0 = arith.muli %arg0, %mul3A : i32
    %add3A = arith.addi %mul3A_0, %arg1 : i32
    %c0_i32 = arith.constant 0 : i32
    %c0_i32_1 = arith.constant 0 : i32
    %c0_i32_2 = arith.constant 0 : i32
    return %add3A, %c0_i32, %c0_i32_1 : i32, i32, i32
  }
  func.func @transform_2(%arg0: i32, %arg1: i32) -> (i32, i32, i32) {
    %c0_i32 = arith.constant 0 : i32
    %c0_i32_0 = arith.constant 0 : i32
    return %arg0, %arg1, %c0_i32 : i32, i32, i32
  }
  func.func @transform_3(%arg0: i32, %arg1: i32) -> (i32, i32, i32) {
    %mul3A = arith.constant 8 : i32
    %mul3A_0 = arith.muli %arg0, %mul3A : i32
    %add3A = arith.addi %mul3A_0, %arg1 : i32
    %c0_i32 = arith.constant 0 : i32
    %c0_i32_1 = arith.constant 0 : i32
    %c0_i32_2 = arith.constant 0 : i32
    return %add3A, %c0_i32, %c0_i32_1 : i32, i32, i32
  }
}

</mosaic_0001>

<sc_bundles>
// kernel: kernel.6.cloned.1.call-start
scs
__scs_entry_jumppad:
0x0: {  	(pc) =	sbr.rel $0x88, $3  }
0x1: {  	(tag) =	ssettag $0x0;
	lr =	simm.s32 $0x1  }
0x2: {  	[smem:$0x3F93] =	sst lr;
	_ =	strace $0xD0000000  }
0x3: {  	_ = 	snop  }
0x4: {  	_ = 	snop  }
0x5: {  	_ = 	snop  }
0x6: {  	_ = 	snop  }
0x7: {  	_ = 	snop  }
__scs_overlays_trampoline_lowered:
0x8: {  	[smem:$0x3FA2] =	sst s0  }
0x9: {  	[smem:$0x3FA3] =	sst s1  }
0xa: {  	[smem:$0x3FA4] =	sst s2  }
0xb: {  	[smem:$0x3FA5] =	sst s3  }
0xc: {  	[smem:$0x3FA6] =	sst s4  }
0xd: {  	[smem:$0x3FA7] =	sst s5  }
0xe: {  	[smem:$0x3FA8] =	sst s6  }
0xf: {  	[smem:$0x3FA9] =	sst s7  }
0x10: {  	[smem:$0x3FAA] =	sst s8  }
0x11: {  	[smem:$0x3FAB] =	sst s9;
	s0 =	simm.s32 @!p0 $0x0  }
0x12: {  	s1 =	sld [smem:$0x3F91];
	s0 =	simm.s32 @p0 $0x1  }
0x13: {  	[smem:$0x3FAC] =	sst s0;
	s0 =	simm.s32 @!p1 $0x0  }
0x14: {  	s2 =	sld [smem:$0x3F90];
	s0 =	simm.s32 @p1 $0x1  }
0x15: {  	[smem:$0x3FAD] =	sst s0;
	s0 =	simm.s32 @!p2 $0x0  }
0x16: {  	s3 =	sld [smem:$0x3FDB];
	s0 =	simm.s32 @p2 $0x1  }
0x17: {  	s4 =	simm.s32 $0x1BF5;
	[smem:$0x3FAF] =	sst s0  }
0x18: {  	s0 =	sld [smem:$0x3F92];
	_ =	swait.ge [sflag:s4], $0x0  }
0x19: {  	s7 =	sld [smem:$0x3F93]  }
0x1a: {  	s8 =	sadd.s32 $0xFFFFE003, lr  }
0x1b: {  	s9 =	sadd.s32 $0xFFFFFEF7, lr;
	s5 =	simm.s32 $0xFFFFFFFF;
	p2 =	slt.u32 s8, $0xFFFFF086  }
0x1c: {  	p1 =	slt.u32 s9, $0xF7A;
	s5 =	simm.s32 @!p2 $0x0  }
0x1d: {  	s5 =	simm.s32 @p1 $0x1;
	p0 =	seq.s32 s7, s2  }
0x1e: {  	s7 =	smul.u32 @!p0 $0xF7A, s2;
	p2 =	seq.s32 @!p0 s5, $0x0  }
0x1f: {  	s9 =	smul.u32 $0xF7A, s1;
	s8 =	simm.s32 @!p0 $0x1BF5;
	p2 =	por !p2, p0  }
0x20: {  	[sflag:s8] =	ssyncset.s32 @!p0 $0xFFFFF086;
	s6 =	sadd.s32 @!p0 s3, s7;
	s7 =	simm.s32 @!p0 $0x108  }
0x21: {  	s3 =	sadd.s32 s3, s9;
	s6 =	sadd.s32 @!p0 $0x88, s6;
	s7 =	simm.s32 @p2 $0x1082  }
0x22: {  	[simem:s7], [sflag:s8] =	dma.local @!p0 [hbm:s6], $0xF7A  }
0x23: {  	s9 =	sor.u32 $0xD0000000, s2;
	s6 =	simm.s32 $0x108;
	_ =	swait.ge @!p0 [sflag:s8], $0x0  }
0x24: {  	s3 =	sadd.s32 $0x88, s3;
	s6 =	simm.s32 @!p1 $0x1082;
	[sflag:s4] =	ssyncset.s32 $0xFFFFF086  }
0x25: {  	[simem:s6], [sflag:s4] =	dma.local [hbm:s3], $0xF7A  }
0x26: {  	[smem:$0x3F93] =	sst s1;
	(tag) =	ssettag s2;
	_ =	strace s9  }
0x27: {  	s1 =	sld [smem:$0x3FA3]  }
0x28: {  	s2 =	sld [smem:$0x3FA4]  }
0x29: {  	s4 =	sld [smem:$0x3FA6]  }
0x2a: {  	p0 =	seq.s32 s5, $0x0;
	s5 =	sld [smem:$0x3FA7]  }
0x2b: {  	s6 =	sld [smem:$0x3FA8]  }
0x2c: {  	s7 =	sld [smem:$0x3FA9]  }
0x2d: {  	s3 =	simm.s32 $0x108;
	s8 =	sld [smem:$0x3FAA]  }
0x2e: {  	s3 =	simm.s32 @!p0 $0x1082;
	s9 =	sld [smem:$0x3FAB]  }
0x2f: {  	lr =	sadd.s32 s0, s3;
	s0 =	sld [smem:$0x3FA2]  }
0x30: {  	s3 =	sld [smem:$0x3FA5]  }
0x31: {  	[smem:$0x3FAE] =	sst s10  }
0x32: {  	s10 =	sld [smem:$0x3FAC];
	_ =	sdelay $0x3  }
0x33: {  	p0 =	seq.s32 s10, $0x1;
	s10 =	sld [smem:$0x3FAE];
	_ =	sdelay $0x3  }
0x34: {  	[smem:$0x3FAE] =	sst s10  }
0x35: {  	s10 =	sld [smem:$0x3FAD];
	_ =	sdelay $0x3  }
0x36: {  	p1 =	seq.s32 s10, $0x1;
	s10 =	sld [smem:$0x3FAE];
	_ =	sdelay $0x3  }
0x37: {  	[smem:$0x3FAE] =	sst s10  }
0x38: {  	s10 =	sld [smem:$0x3FAF]  }
0x39: {  	_ = 	snop;
	(pc) =	sbr.ind lr, $3  }
0x3a: {  	_ = 	snop  }
0x3b: {  	_ = 	snop  }
0x3c: {  	p2 =	seq.s32 s10, $0x1;
	s10 =	sld [smem:$0x3FAE]  }
0x3d: {  	_ =	shalt  }
0x3e: {  	_ =	shalt  }
0x3f: {  	_ =	shalt  }
0x40: {  	_ =	shalt  }
0x41: {  	_ =	shalt  }
0x42: {  	_ =	shalt  }
0x43: {  	_ =	shalt  }
0x44: {  	_ =	shalt  }
0x45: {  	_ =	shalt  }
0x46: {  	_ =	shalt  }
0x47: {  	_ =	shalt  }
0x48: {  	_ =	shalt  }
0x49: {  	_ =	shalt  }
0x4a: {  	_ =	shalt  }
0x4b: {  	_ =	shalt  }
0x4c: {  	_ =	shalt  }
0x4d: {  	_ =	shalt  }
0x4e: {  	_ =	shalt  }
0x4f: {  	_ =	shalt  }
0x50: {  	_ =	shalt  }
0x51: {  	_ =	shalt  }
0x52: {  	_ =	shalt  }
0x53: {  	_ =	shalt  }
0x54: {  	_ =	shalt  }
0x55: {  	_ =	shalt  }
0x56: {  	_ =	shalt  }
0x57: {  	_ =	shalt  }
0x58: {  	_ =	shalt  }
0x59: {  	_ =	shalt  }
0x5a: {  	_ =	shalt  }
0x5b: {  	_ =	shalt  }
0x5c: {  	_ =	shalt  }
0x5d: {  	_ =	shalt  }
0x5e: {  	_ =	shalt  }
0x5f: {  	_ =	shalt  }
0x60: {  	_ =	shalt  }
0x61: {  	_ =	shalt  }
0x62: {  	_ =	shalt  }
0x63: {  	_ =	shalt  }
0x64: {  	_ =	shalt  }
0x65: {  	_ =	shalt  }
0x66: {  	_ =	shalt  }
0x67: {  	_ =	shalt  }
0x68: {  	_ =	shalt  }
0x69: {  	_ =	shalt  }
0x6a: {  	_ =	shalt  }
0x6b: {  	_ =	shalt  }
0x6c: {  	_ =	shalt  }
0x6d: {  	_ =	shalt  }
0x6e: {  	_ =	shalt  }
0x6f: {  	_ =	shalt  }
0x70: {  	_ =	shalt  }
0x71: {  	_ =	shalt  }
0x72: {  	_ =	shalt  }
0x73: {  	_ =	shalt  }
0x74: {  	_ =	shalt  }
0x75: {  	_ =	shalt  }
0x76: {  	_ =	shalt  }
0x77: {  	_ =	shalt  }
0x78: {  	_ =	shalt  }
0x79: {  	_ =	shalt  }
0x7a: {  	_ =	shalt  }
0x7b: {  	_ =	shalt  }
0x7c: {  	_ =	shalt  }
0x7d: {  	_ =	shalt  }
0x7e: {  	_ =	shalt  }
0x7f: {  	_ =	shalt  }
0x80: {  	_ =	shalt  }
0x81: {  	_ =	shalt  }
0x82: {  	_ =	shalt  }
0x83: {  	_ =	shalt  }
0x84: {  	_ =	shalt  }
0x85: {  	_ =	shalt  }
0x86: {  	_ =	shalt  }
0x87: {  	_ =	shalt  }
.Lfunc_end0:
.L_simem_size_0:
called_computation_lowered:
.L_overlay_start_0:
0x88: {  	s2 =	sld [smem:$0x3FD9]  }
0x89: {  	s3 =	sld [smem:$0x3FFE];
	_ =	sdelay $0x1  }
0x8a: {  	s1 =	srdreg.scid  }
0x8b: {  	s0 =	sand.u32 $0x1, s1  }
0x8c: {  	s17 =	sshll.u32 s0, $0xA;
	s2 =	sadd.s32 s3, s2  }
0x8d: {  	s2 =	sadd.s32 s2, s17  }
0x8e: {  	[smem:$0x3FBA] =	sst s2  }
0x8f: {  	_ = 	snop  }
0x90: {  	s2 =	sld [smem:$0x3FC7];
	(tm) =	ssettm $0x1  }
0x91: {  	s18 =	sld [smem:$0x3FFB];
	_ =	sdelay $0x3  }
0x92: {  	_ =	strace s18  }
0x93: {  	s3 =	sld [smem:$0x3FFC];
	_ =	sdelay $0x3  }
0x94: {  	_ =	strace s3  }
0x95: {  	s3 =	sld [smem:$0x3FFD];
	_ =	sdelay $0x3  }
0x96: {  	_ =	strace s3  }
0x97: {  	_ =	strace $0x8FFFFFFF  }
0x98: {  	s19 =	sld [smem:$0x3FDB];
	_ =	sdelay $0x1  }
0x99: {  	s4 =	simm.s32 $_scs_section_size  }
0x9a: {  	s5 =	simm.s32 $_size__tile_overlayer_lowered;
	s6 =	simm.s32 $_tile_overlayer_lowered  }
0x9b: {  	s22 =	simm.s32 $0x1BFF;
	s21 =	sshll.u32 s6, $0x1;
	s3 =	sadd.s32 s4, s19  }
0x9c: {  	s7 =	simm.s32 $0x0;
	s20 =	sshll.u32 s5, $0x1;
	s5 =	sadd.s32 s21, s3  }
0x9d: {  	[timem:s7], [sflag:s22] =	dma.local [hbm:s5], s20  }
0x9e: {  	_ =	swait.ge [sflag:s22], s20  }
0x9f: {  	s4 =	ssub.s32 $0x0, s20;
	[sflag:s22] =	ssyncset.done $0x0  }
0xa0: {  	[sflag:s22] =	ssyncadd.s32 s4;
	_ =	sdelay $0x1  }
0xa1: {  	s23 =	simm.s32 $0x1B8B  }
0xa2: {  	_ =	swait.ge [sflag:s23], $0x1  }
0xa3: {  	[sflag:s23] =	ssyncset.done $0x0  }
0xa4: {  	s25 =	simm.s32 $0x1B8E;
	s24 =	sld [smem:$0x3FFE];
	[sflag:s23] =	ssyncadd.s32 $0xFFFFFFFF  }
0xa5: {  	s26 =	simm.s32 $execute0_lowered;
	[smem:$0x3FD2] =	sst s25  }
0xa6: {  	s5 =	sshll.u32 s26, $0x1;
	_ =	strace $0x80000046;
	[dreg:$0x1] =	wrdreg $0xFFFFFFFF  }
0xa7: {  	s28 =	simm.s32 $_size_execute0_lowered;
	s3 =	sadd.s32 s3, s5;
	[dreg:$0x0] =	wrdreg $0x0  }
0xa8: {  	s5 =	sshll.u32 s28, $0x1;
	[dreg:$0x2] =	wrdreg s3  }
0xa9: {  	[dreg:$0x3] =	wrdreg s5  }
0xaa: {  	[dreg:$0x4] =	wrdreg $0xC0  }
0xab: {  	_ =	task [dreg:s7], $0x5FFFF  }
0xac: {  	[dreg:$0x1] =	wrdreg $0xFFFFFFFF  }
0xad: {  	[dreg:$0x0] =	wrdreg $0x60  }
0xae: {  	[dreg:$0x2] =	wrdreg s24  }
0xaf: {  	[dreg:$0x3] =	wrdreg s2  }
0xb0: {  	[dreg:$0x4] =	wrdreg $0x9  }
0xb1: {  	_ =	task.clear_ibuf [dreg:s7], $0x5FFFF;
	_ =	strace $0x90000046  }
0xb2: {  	s29 =	simm.s32 $0x9;
	_ =	strace $0x80000048  }
0xb3: {  	_ =	swait.ge [sflag:s29], $0x1  }
0xb4: {  	[sflag:s29] =	ssyncadd.s32 $0xFFFFFFFF  }
0xb5: {  	_ =	strace $0x90000048  }
0xb6: {  	_ =	sfence  }
0xb7: {  	s30 =	sld [smem:$0x0];
	_ =	sdelay $0x2  }
0xb8: {  	s31 =	sshll.u32 s1, $0xD;
	s1 =	sshrl.u32 s1, $0x2  }
0xb9: {  	s3 =	sand.u32 $0x4000, s31;
	s1 =	sadd.s32 s1, s30  }
0xba: {  	s0 =	sor.u32 s3, s0;
	s1 =	sshll.u32 s1, $0x11  }
0xbb: {  	s0 =	sor.u32 s1, s0  }
0xbc: {  	s0 =	sadd.s32 $0x8F2B, s0  }
0xbd: {  	[sflag:s0] =	ssyncadd.remote.s32 $0x1  }
0xbe: {  	_ =	sfence.sel $0xFFFF  }
0xbf: {  	[dreg:$0x0] =	wrdreg $0xFFFFFFFF;
	(pc) =	sbr.abs _section_cstart, $3  }
0xc0: {  	[dreg:$0x1] =	wrdreg $0xFFFFFFFF  }
0xc1: {  	_ =	task.clear_ibuf [dreg:s7], $0x2FFFF;
	_ =	strace $0x9FFFFFFF  }
0xc2: {  	(tm) =	ssettm $0x7FFFFFFF  }
0xc3: {  	_ =	shalt  }
tec
execute0_lowered:
.L_overlay_start_1:
0x0: {  	(tag) =	ssettag $0x1  }
0x1: {  	s22 =	rddreg [dreg:$0x0]  }
0x2: {  	s1 =	srdreg.scid;
	s0 =	stileid.u32  }
0x3: {  	s3 =	rddreg [dreg:$0x1];
	s19 =	sand.u32 $0x1, s1;
	s4 =	sshll.u32 s0, $0x1  }
0x4: {  	s2 =	simm.s32 $0x0;
	s1 =	rddreg [dreg:$0x2];
	s15 =	sor.u32 s19, s4  }
0x5: {  	[smem:$0x7FF] =	sst s2;
	s4 =	sshll.u32 s15, $0x6  }
0x6: {  	_ =	strace $0x80000047;
	s3 =	sadd.s32 s3, s4;
	s4 =	simm.s32 $0x2  }
0x7: {  	[tilespmem:s2], [sflag:$0x2] =	stream.linear.gather [hbm4b:s3+s2], $0x200, $0x38;
	[tilespmem:$0x8A20] =	vst v63  }
0x8: {  	_ =	swait.ge [sflag:s4], $0x200  }
0x9: {  	s6 =	simm.s32 $0x80;
	[sflag:s4] =	ssyncset.done $0x0  }
0xa: {  	s7 =	simm.s32 $0x200;
	s5 =	sadd.s32 $0x189000, s22;
	[sflag:s4] =	ssyncadd.s32 $0xFFFFFE00  }
0xb: {  	[tilespmem:s7], [sflag:$0x1] =	stream.indirect.gather [hbm4b:s5+s6], $0x40, s2, s6, $0xb8;
	[tilespmem:$0x8A20] =	vst v63  }
0xc: {  	s8 =	simm.s32 $0x2200  }
0xd: {  	[tilespmem:s8], [sflag:$0x1] =	stream.indirect.gather [hbm4b:s5+s6], $0x40, s6, s6, $0xb8;
	[tilespmem:$0x8A20] =	vst v63  }
0xe: {  	s9 =	simm.s32 $0x100;
	s10 =	simm.s32 $0x4200  }
0xf: {  	[tilespmem:s10], [sflag:$0x1] =	stream.indirect.gather [hbm4b:s5+s6], $0x40, s9, s6, $0xb8;
	[tilespmem:$0x8A20] =	vst v63  }
0x10: {  	s11 =	simm.s32 $0x180;
	s12 =	simm.s32 $0x6200;
	s13 =	simm.s32 $0x1  }
0x11: {  	[tilespmem:s12], [sflag:$0x1] =	stream.indirect.gather [hbm4b:s5+s6], $0x40, s11, s6, $0xb8;
	[tilespmem:$0x8A20] =	vst v63  }
0x12: {  	_ =	swait.ge [sflag:s13], $0x2000  }
0x13: {  	[sflag:s13] =	ssyncset.done $0x0  }
0x14: {  	[sflag:s13] =	ssyncadd.s32 $0xFFFFE000  }
0x15: {  	_ =	swait.ge [sflag:s13], $0x2000  }
0x16: {  	[sflag:s13] =	ssyncset.done $0x0  }
0x17: {  	[sflag:s13] =	ssyncadd.s32 $0xFFFFE000  }
0x18: {  	_ =	swait.ge [sflag:s13], $0x2000  }
0x19: {  	[sflag:s13] =	ssyncset.done $0x0  }
0x1a: {  	[sflag:s13] =	ssyncadd.s32 $0xFFFFE000  }
0x1b: {  	s14 =	sshll.u32 s15, $0xC;
	_ =	swait.ge [sflag:s13], $0x2000  }
0x1c: {  	s14 =	sadd.s32 s14, s22;
	[sflag:s13] =	ssyncset.done $0x0  }
0x1d: {  	s14 =	sadd.s32 $0x2800, s14;
	[sflag:s13] =	ssyncadd.s32 $0xFFFFE000  }
0x1e: {  	[hbm4b:s14+s2] =	stream.linear.scatter [tilespmem:s7], [sflag:$0x2], $0x8000, $0x38;
	[tilespmem:$0x8A20] =	vst v63  }
0x1f: {  	p0 =	sne.s32 s15, $0x0;
	_ =	swait.ge [sflag:s4], $0x8000  }
0x20: {  	s16 =	sadd.s32 $0x2600, s22;
	s15 =	simm.s32 @!p0 $0x2;
	[sflag:s4] =	ssyncset.done $0x0  }
0x21: {  	s17 =	simm.s32 @!p0 $0x0;
	s18 =	simm.s32 @!p0 $0x8200;
	[sflag:s4] =	ssyncadd.s32 $0xFFFF8000  }
0x22: {  	[tilespmem:s18], [sflag:$0x2] =	stream.linear.gather @!p0 [hbm4b:s16+s17], $0x20, $0x38;
	[tilespmem:$0x8A20] =	vst v63  }
0x23: {  	_ =	swait.ge @!p0 [sflag:s15], $0x20  }
0x24: {  	[sflag:s15] =	ssyncset.done @!p0 $0x0  }
0x25: {  	[sflag:s15] =	ssyncadd.s32 @!p0 $0xFFFFFFE0  }
0x26: {  	v0 =	vld @!p0 [tilespmem:$0x8200]  }
0x27: {  	v1 =	vld @!p0 [tilespmem:$0x8210];
	_ =	sdelay $0x1  }
0x28: {  	s23 =	ssub.s32 $0x2, s19  }
0x29: {  	s24 =	sshrl.u32 s23, $0x1  }
0x2a: {  	s23 =	ssub.s32 s23, s24;
	vm0 =	vlt.s32 @!p0 v0, $0x1869F  }
0x2b: {  	s23 =	smax.u32 s23, $0x1;
	v0 =	vnsel @!p0 vm0, $0x1869F, v0;
	vm0 =	vlt.s32 @!p0 v1, $0x1869F  }
0x2c: {  	s19 =	simm.s32 @!p0 $0x20;
	s23 =	sadd.s32 $0xFFFFFFFF, s23;
	[tilespmem:$0x8200] =	vst @!p0 v0;
	v0 =	vnsel @!p0 vm0, $0x1869F, v1  }
0x2d: {  	s20 =	simm.s32 @!p0 $0x8220;
	s21 =	simm.s32 @!p0 $0x1;
	p1 =	sne.s32 s23, $0x0;
	[tilespmem:$0x8210] =	vst @!p0 v0  }
0x2e: {  	[tilespmem:s20], [sflag:$0x1] =	stream.indirect.gather @!p0 [hbm4b:s5+s19], $0x40, s18, s19, $0xb8;
	[tilespmem:$0x8A20] =	vst v63  }
.Ltmp0:
0x2f: {  	_ =	swait.ge @!p0 [sflag:s21], $0x800;
	(pc) =	sbr.rel @!p1 .LBB2_2-.Ltmp0, $4  }
0x30: {  	[sflag:s21] =	ssyncset.done @!p0 $0x0  }
0x31: {  	s22 =	sadd.s32 $0x22800, s22;
	[sflag:s21] =	ssyncadd.s32 @!p0 $0xFFFFF800  }
0x32: {  	[hbm4b:s22+s17] =	stream.linear.scatter @!p0 [tilespmem:s20], [sflag:$0x2], $0x800, $0x38;
	[tilespmem:$0x8A20] =	vst v63  }
0x33: {  	_ =	swait.ge @!p0 [sflag:s15], $0x800  }
.LBB2_1:
0x34: {  	s23 =	sadd.s32 $0xFFFFFFFF, s23;
	[sflag:s15] =	ssyncset.done @!p0 $0x0  }
0x35: {  	p1 =	sne.s32 s23, $0x0;
	[sflag:s15] =	ssyncadd.s32 @!p0 $0xFFFFF800  }
0x36: {  	[tilespmem:s2], [sflag:$0x2] =	stream.linear.gather [hbm4b:s3+s2], $0x200, $0x38;
	[tilespmem:$0x8A20] =	vst v63  }
0x37: {  	_ =	swait.ge [sflag:s4], $0x200  }
0x38: {  	[sflag:s4] =	ssyncset.done $0x0  }
0x39: {  	[sflag:s4] =	ssyncadd.s32 $0xFFFFFE00  }
0x3a: {  	[tilespmem:s7], [sflag:$0x1] =	stream.indirect.gather [hbm4b:s5+s6], $0x40, s2, s6, $0xb8;
	[tilespmem:$0x8A20] =	vst v63  }
0x3b: {  	_ = 	snop  }
0x3c: {  	[tilespmem:s8], [sflag:$0x1] =	stream.indirect.gather [hbm4b:s5+s6], $0x40, s6, s6, $0xb8;
	[tilespmem:$0x8A20] =	vst v63  }
0x3d: {  	_ = 	snop  }
0x3e: {  	[tilespmem:s10], [sflag:$0x1] =	stream.indirect.gather [hbm4b:s5+s6], $0x40, s9, s6, $0xb8;
	[tilespmem:$0x8A20] =	vst v63  }
0x3f: {  	_ = 	snop  }
0x40: {  	[tilespmem:s12], [sflag:$0x1] =	stream.indirect.gather [hbm4b:s5+s6], $0x40, s11, s6, $0xb8;
	[tilespmem:$0x8A20] =	vst v63  }
0x41: {  	_ =	swait.ge [sflag:s13], $0x2000  }
0x42: {  	[sflag:s13] =	ssyncset.done $0x0  }
0x43: {  	[sflag:s13] =	ssyncadd.s32 $0xFFFFE000  }
0x44: {  	_ =	swait.ge [sflag:s13], $0x2000  }
0x45: {  	[sflag:s13] =	ssyncset.done $0x0  }
0x46: {  	[sflag:s13] =	ssyncadd.s32 $0xFFFFE000  }
0x47: {  	_ =	swait.ge [sflag:s13], $0x2000  }
0x48: {  	[sflag:s13] =	ssyncset.done $0x0  }
0x49: {  	[sflag:s13] =	ssyncadd.s32 $0xFFFFE000  }
0x4a: {  	_ =	swait.ge [sflag:s13], $0x2000  }
0x4b: {  	[sflag:s13] =	ssyncset.done $0x0  }
0x4c: {  	[sflag:s13] =	ssyncadd.s32 $0xFFFFE000  }
0x4d: {  	[hbm4b:s14+s2] =	stream.linear.scatter [tilespmem:s7], [sflag:$0x2], $0x8000, $0x38;
	[tilespmem:$0x8A20] =	vst v63  }
0x4e: {  	_ =	swait.ge [sflag:s4], $0x8000  }
0x4f: {  	[sflag:s4] =	ssyncset.done $0x0  }
0x50: {  	[sflag:s4] =	ssyncadd.s32 $0xFFFF8000  }
0x51: {  	[tilespmem:s18], [sflag:$0x2] =	stream.linear.gather @!p0 [hbm4b:s16+s17], $0x20, $0x38;
	[tilespmem:$0x8A20] =	vst v63  }
0x52: {  	_ =	swait.ge @!p0 [sflag:s15], $0x20  }
0x53: {  	[sflag:s15] =	ssyncset.done @!p0 $0x0  }
0x54: {  	[sflag:s15] =	ssyncadd.s32 @!p0 $0xFFFFFFE0  }
0x55: {  	v0 =	vld @!p0 [tilespmem:$0x8200]  }
0x56: {  	v1 =	vld @!p0 [tilespmem:$0x8210];
	_ =	sdelay $0x3  }
0x57: {  	vm0 =	vlt.s32 @!p0 v0, $0x1869F  }
0x58: {  	v0 =	vnsel @!p0 vm0, $0x1869F, v0;
	vm0 =	vlt.s32 @!p0 v1, $0x1869F  }
0x59: {  	[tilespmem:$0x8200] =	vst @!p0 v0;
	v0 =	vnsel @!p0 vm0, $0x1869F, v1  }
0x5a: {  	[tilespmem:$0x8210] =	vst @!p0 v0  }
0x5b: {  	[tilespmem:s20], [sflag:$0x1] =	stream.indirect.gather @!p0 [hbm4b:s5+s19], $0x40, s18, s19, $0xb8;
	[tilespmem:$0x8A20] =	vst v63  }
.Ltmp1:
0x5c: {  	_ =	swait.ge @!p0 [sflag:s21], $0x800;
	(pc) =	sbr.rel @p1 .LBB2_1-.Ltmp1, $4  }
0x5d: {  	[sflag:s21] =	ssyncset.done @!p0 $0x0  }
0x5e: {  	[sflag:s21] =	ssyncadd.s32 @!p0 $0xFFFFF800  }
0x5f: {  	[hbm4b:s22+s17] =	stream.linear.scatter @!p0 [tilespmem:s20], [sflag:$0x2], $0x800, $0x38;
	[tilespmem:$0x8A20] =	vst v63  }
0x60: {  	_ =	swait.ge @!p0 [sflag:s15], $0x800  }
.LBB2_2:
0x61: {  	[sflag:s15] =	ssyncset.done @!p0 $0x0  }
0x62: {  	[sflag:s15] =	ssyncadd.s32 @!p0 $0xFFFFF800  }
0x63: {  	_ =	sfence.sel $0x180000  }
0x64: {  	[bflag:$0x0] =	sbarrier.arrive $0xFFFF  }
0x65: {  	p0 =	sne.s32 s0, $0x0;
	_ =	strace $0x90000047  }
0x66: {  	s0 =	sadd.s32 @!p0 $0x100000, s1;
	[bflag:$0x2] =	sbarrier.arrive $0xFFFF  }
0x67: {  	[sflag:s0] =	ssyncadd.tile.s32 @!p0 $0x1;
	_ =	shalt  }
.Lfunc_end2:
_tile_overlayer_lowered:
.L_overlay_start_2:
0x68: {  	(tag) =	ssettag $0x2  }
0x69: {  	s0 =	rddreg [dreg:$0x0];
	s2 =	stileid.u32  }
0x6a: {  	s1 =	rddreg [dreg:$0x1];
	p0 =	sne.s32 s2, $0x0  }
0x6b: {  	s3 =	rddreg [dreg:$0x2];
	[bflag:$0x3] =	sbarrier.arrive $0xFFFF;
	s2 =	simm.s32 @!p0 $0x1C02  }
0x6c: {  	[timem:s3], [sflag:s2] =	dma.local @!p0 [hbm:s0], s1  }
0x6d: {  	s0 =	simm.s32 @!p0 $0x2  }
0x6e: {  	_ =	swait.ge @!p0 [sflag:s0], s1  }
0x6f: {  	s1 =	ssub.s32 @!p0 $0x0, s1;
	[sflag:s0] =	ssyncset.done @!p0 $0x0  }
0x70: {  	[sflag:s0] =	ssyncadd.s32 @!p0 s1  }
0x71: {  	[bflag:$0x3] =	sbarrier.arrive $0xFFFF  }
0x72: {  	_ =	shalt  }

// kernel: kernel.9.cloned.1.call-start
scs
__scs_entry_jumppad:
0x0: {  	(pc) =	sbr.rel $0x88, $3  }
0x1: {  	(tag) =	ssettag $0x0;
	lr =	simm.s32 $0x1  }
0x2: {  	[smem:$0x3F93] =	sst lr;
	_ =	strace $0xD0000000  }
0x3: {  	_ = 	snop  }
0x4: {  	_ = 	snop  }
0x5: {  	_ = 	snop  }
0x6: {  	_ = 	snop  }
0x7: {  	_ = 	snop  }
__scs_overlays_trampoline_lowered:
0x8: {  	[smem:$0x3FA2] =	sst s0  }
0x9: {  	[smem:$0x3FA3] =	sst s1  }
0xa: {  	[smem:$0x3FA4] =	sst s2  }
0xb: {  	[smem:$0x3FA5] =	sst s3  }
0xc: {  	[smem:$0x3FA6] =	sst s4  }
0xd: {  	[smem:$0x3FA7] =	sst s5  }
0xe: {  	[smem:$0x3FA8] =	sst s6  }
0xf: {  	[smem:$0x3FA9] =	sst s7  }
0x10: {  	[smem:$0x3FAA] =	sst s8  }
0x11: {  	[smem:$0x3FAB] =	sst s9;
	s0 =	simm.s32 @!p0 $0x0  }
0x12: {  	s1 =	sld [smem:$0x3F91];
	s0 =	simm.s32 @p0 $0x1  }
0x13: {  	[smem:$0x3FAC] =	sst s0;
	s0 =	simm.s32 @!p1 $0x0  }
0x14: {  	s2 =	sld [smem:$0x3F90];
	s0 =	simm.s32 @p1 $0x1  }
0x15: {  	[smem:$0x3FAD] =	sst s0;
	s0 =	simm.s32 @!p2 $0x0  }
0x16: {  	s3 =	sld [smem:$0x3FDB];
	s0 =	simm.s32 @p2 $0x1  }
0x17: {  	s4 =	simm.s32 $0x1BF5;
	[smem:$0x3FAF] =	sst s0  }
0x18: {  	s0 =	sld [smem:$0x3F92];
	_ =	swait.ge [sflag:s4], $0x0  }
0x19: {  	s7 =	sld [smem:$0x3F93]  }
0x1a: {  	s8 =	sadd.s32 $0xFFFFE003, lr  }
0x1b: {  	s9 =	sadd.s32 $0xFFFFFEF7, lr;
	s5 =	simm.s32 $0xFFFFFFFF;
	p2 =	slt.u32 s8, $0xFFFFF086  }
0x1c: {  	p1 =	slt.u32 s9, $0xF7A;
	s5 =	simm.s32 @!p2 $0x0  }
0x1d: {  	s5 =	simm.s32 @p1 $0x1;
	p0 =	seq.s32 s7, s2  }
0x1e: {  	s7 =	smul.u32 @!p0 $0xF7A, s2;
	p2 =	seq.s32 @!p0 s5, $0x0  }
0x1f: {  	s9 =	smul.u32 $0xF7A, s1;
	s8 =	simm.s32 @!p0 $0x1BF5;
	p2 =	por !p2, p0  }
0x20: {  	[sflag:s8] =	ssyncset.s32 @!p0 $0xFFFFF086;
	s6 =	sadd.s32 @!p0 s3, s7;
	s7 =	simm.s32 @!p0 $0x108  }
0x21: {  	s3 =	sadd.s32 s3, s9;
	s6 =	sadd.s32 @!p0 $0x88, s6;
	s7 =	simm.s32 @p2 $0x1082  }
0x22: {  	[simem:s7], [sflag:s8] =	dma.local @!p0 [hbm:s6], $0xF7A  }
0x23: {  	s9 =	sor.u32 $0xD0000000, s2;
	s6 =	simm.s32 $0x108;
	_ =	swait.ge @!p0 [sflag:s8], $0x0  }
0x24: {  	s3 =	sadd.s32 $0x88, s3;
	s6 =	simm.s32 @!p1 $0x1082;
	[sflag:s4] =	ssyncset.s32 $0xFFFFF086  }
0x25: {  	[simem:s6], [sflag:s4] =	dma.local [hbm:s3], $0xF7A  }
0x26: {  	[smem:$0x3F93] =	sst s1;
	(tag) =	ssettag s2;
	_ =	strace s9  }
0x27: {  	s1 =	sld [smem:$0x3FA3]  }
0x28: {  	s2 =	sld [smem:$0x3FA4]  }
0x29: {  	s4 =	sld [smem:$0x3FA6]  }
0x2a: {  	p0 =	seq.s32 s5, $0x0;
	s5 =	sld [smem:$0x3FA7]  }
0x2b: {  	s6 =	sld [smem:$0x3FA8]  }
0x2c: {  	s7 =	sld [smem:$0x3FA9]  }
0x2d: {  	s3 =	simm.s32 $0x108;
	s8 =	sld [smem:$0x3FAA]  }
0x2e: {  	s3 =	simm.s32 @!p0 $0x1082;
	s9 =	sld [smem:$0x3FAB]  }
0x2f: {  	lr =	sadd.s32 s0, s3;
	s0 =	sld [smem:$0x3FA2]  }
0x30: {  	s3 =	sld [smem:$0x3FA5]  }
0x31: {  	[smem:$0x3FAE] =	sst s10  }
0x32: {  	s10 =	sld [smem:$0x3FAC];
	_ =	sdelay $0x3  }
0x33: {  	p0 =	seq.s32 s10, $0x1;
	s10 =	sld [smem:$0x3FAE];
	_ =	sdelay $0x3  }
0x34: {  	[smem:$0x3FAE] =	sst s10  }
0x35: {  	s10 =	sld [smem:$0x3FAD];
	_ =	sdelay $0x3  }
0x36: {  	p1 =	seq.s32 s10, $0x1;
	s10 =	sld [smem:$0x3FAE];
	_ =	sdelay $0x3  }
0x37: {  	[smem:$0x3FAE] =	sst s10  }
0x38: {  	s10 =	sld [smem:$0x3FAF]  }
0x39: {  	_ = 	snop;
	(pc) =	sbr.ind lr, $3  }
0x3a: {  	_ = 	snop  }
0x3b: {  	_ = 	snop  }
0x3c: {  	p2 =	seq.s32 s10, $0x1;
	s10 =	sld [smem:$0x3FAE]  }
0x3d: {  	_ =	shalt  }
0x3e: {  	_ =	shalt  }
0x3f: {  	_ =	shalt  }
0x40: {  	_ =	shalt  }
0x41: {  	_ =	shalt  }
0x42: {  	_ =	shalt  }
0x43: {  	_ =	shalt  }
0x44: {  	_ =	shalt  }
0x45: {  	_ =	shalt  }
0x46: {  	_ =	shalt  }
0x47: {  	_ =	shalt  }
0x48: {  	_ =	shalt  }
0x49: {  	_ =	shalt  }
0x4a: {  	_ =	shalt  }
0x4b: {  	_ =	shalt  }
0x4c: {  	_ =	shalt  }
0x4d: {  	_ =	shalt  }
0x4e: {  	_ =	shalt  }
0x4f: {  	_ =	shalt  }
0x50: {  	_ =	shalt  }
0x51: {  	_ =	shalt  }
0x52: {  	_ =	shalt  }
0x53: {  	_ =	shalt  }
0x54: {  	_ =	shalt  }
0x55: {  	_ =	shalt  }
0x56: {  	_ =	shalt  }
0x57: {  	_ =	shalt  }
0x58: {  	_ =	shalt  }
0x59: {  	_ =	shalt  }
0x5a: {  	_ =	shalt  }
0x5b: {  	_ =	shalt  }
0x5c: {  	_ =	shalt  }
0x5d: {  	_ =	shalt  }
0x5e: {  	_ =	shalt  }
0x5f: {  	_ =	shalt  }
0x60: {  	_ =	shalt  }
0x61: {  	_ =	shalt  }
0x62: {  	_ =	shalt  }
0x63: {  	_ =	shalt  }
0x64: {  	_ =	shalt  }
0x65: {  	_ =	shalt  }
0x66: {  	_ =	shalt  }
0x67: {  	_ =	shalt  }
0x68: {  	_ =	shalt  }
0x69: {  	_ =	shalt  }
0x6a: {  	_ =	shalt  }
0x6b: {  	_ =	shalt  }
0x6c: {  	_ =	shalt  }
0x6d: {  	_ =	shalt  }
0x6e: {  	_ =	shalt  }
0x6f: {  	_ =	shalt  }
0x70: {  	_ =	shalt  }
0x71: {  	_ =	shalt  }
0x72: {  	_ =	shalt  }
0x73: {  	_ =	shalt  }
0x74: {  	_ =	shalt  }
0x75: {  	_ =	shalt  }
0x76: {  	_ =	shalt  }
0x77: {  	_ =	shalt  }
0x78: {  	_ =	shalt  }
0x79: {  	_ =	shalt  }
0x7a: {  	_ =	shalt  }
0x7b: {  	_ =	shalt  }
0x7c: {  	_ =	shalt  }
0x7d: {  	_ =	shalt  }
0x7e: {  	_ =	shalt  }
0x7f: {  	_ =	shalt  }
0x80: {  	_ =	shalt  }
0x81: {  	_ =	shalt  }
0x82: {  	_ =	shalt  }
0x83: {  	_ =	shalt  }
0x84: {  	_ =	shalt  }
0x85: {  	_ =	shalt  }
0x86: {  	_ =	shalt  }
0x87: {  	_ =	shalt  }
.Lfunc_end0:
.L_simem_size_0:
called_computation.1_lowered:
.L_overlay_start_0:
0x88: {  	s2 =	sld [smem:$0x3FD9]  }
0x89: {  	s3 =	sld [smem:$0x3FFE];
	_ =	sdelay $0x1  }
0x8a: {  	s1 =	srdreg.scid  }
0x8b: {  	s0 =	sand.u32 $0x1, s1  }
0x8c: {  	s17 =	sshll.u32 s0, $0xA;
	s2 =	sadd.s32 s3, s2  }
0x8d: {  	s2 =	sadd.s32 s2, s17  }
0x8e: {  	[smem:$0x3FBA] =	sst s2  }
0x8f: {  	_ = 	snop  }
0x90: {  	s18 =	sld [smem:$0x3FD0];
	(tm) =	ssettm $0x1  }
0x91: {  	s19 =	sld [smem:$0x3FFB];
	_ =	sdelay $0x3  }
0x92: {  	_ =	strace s19  }
0x93: {  	s2 =	sld [smem:$0x3FFC];
	_ =	sdelay $0x3  }
0x94: {  	_ =	strace s2  }
0x95: {  	s2 =	sld [smem:$0x3FFD];
	_ =	sdelay $0x3  }
0x96: {  	_ =	strace s2  }
0x97: {  	_ =	strace $0x8FFFFFFF  }
0x98: {  	s20 =	sld [smem:$0x3FDB];
	_ =	sdelay $0x1  }
0x99: {  	s4 =	simm.s32 $_scs_section_size  }
0x9a: {  	s5 =	simm.s32 $_size__tile_overlayer_lowered;
	s6 =	simm.s32 $_tile_overlayer_lowered  }
0x9b: {  	s7 =	simm.s32 $0x1BFF;
	s21 =	sshll.u32 s6, $0x1;
	s4 =	sadd.s32 s4, s20  }
0x9c: {  	s22 =	simm.s32 $0x0;
	s5 =	sshll.u32 s5, $0x1;
	s6 =	sadd.s32 s21, s4  }
0x9d: {  	[timem:s22], [sflag:s7] =	dma.local [hbm:s6], s5  }
0x9e: {  	_ =	swait.ge [sflag:s7], s5  }
0x9f: {  	s5 =	ssub.s32 $0x0, s5;
	[sflag:s7] =	ssyncset.done $0x0  }
0xa0: {  	[sflag:s7] =	ssyncadd.s32 s5;
	_ =	sdelay $0x1  }
0xa1: {  	s23 =	simm.s32 $0x1B8B  }
0xa2: {  	_ =	swait.ge [sflag:s23], $0x1  }
0xa3: {  	[sflag:s23] =	ssyncset.done $0x0  }
0xa4: {  	[sflag:s23] =	ssyncadd.s32 $0xFFFFFFFF  }
0xa5: {  	s5 =	sld [smem:$0x0]  }
0xa6: {  	s6 =	sand.u32 $0xFFFFFFFE, s1  }
0xa7: {  	p0 =	sne.s32 s1, s6  }
0xa8: {  	s6 =	sshll.u32 @p0 s6, $0xE  }
0xa9: {  	s6 =	sadd.s32 @p0 $0x11B8D, s6;
	s7 =	sshll.u32 @p0 s5, $0x11  }
0xaa: {  	s6 =	sor.u32 @p0 s7, s6  }
0xab: {  	[sflag:s6] =	ssyncadd.remote.s32 @p0 $0x1;
	_ =	sdelay $0x1  }
0xac: {  	s6 =	simm.s32 @p0 $0x1B8D  }
0xad: {  	_ =	swait.eq @p0 [sflag:s6], $0x1  }
0xae: {  	[sflag:s6] =	ssyncadd.s32 @p0 $0xFFFFFFFF  }
0xaf: {  	s7 =	sshll.u32 @!p0 s1, $0xE  }
0xb0: {  	s7 =	sor.u32 @!p0 $0x4000, s7;
	s6 =	simm.s32 @!p0 $0x1B8D  }
0xb1: {  	s5 =	sshll.u32 @!p0 s5, $0x11;
	s7 =	sadd.s32 @!p0 $0x11B8D, s7;
	_ =	swait.eq @!p0 [sflag:s6], $0x1  }
0xb2: {  	s5 =	sor.u32 @!p0 s5, s7;
	[sflag:s6] =	ssyncadd.s32 @!p0 $0xFFFFFFFF  }
0xb3: {  	s25 =	simm.s32 $0x1B8E;
	s24 =	sld [smem:$0x3FFE];
	[sflag:s5] =	ssyncadd.remote.s32 @!p0 $0x1  }
0xb4: {  	s26 =	simm.s32 $execute0_lowered;
	[smem:$0x3FD2] =	sst s25  }
0xb5: {  	s6 =	sshll.u32 s26, $0x1;
	_ =	strace $0x80000049;
	[dreg:$0x1] =	wrdreg $0xFFFFFFFF  }
0xb6: {  	s28 =	simm.s32 $_size_execute0_lowered;
	s4 =	sadd.s32 s4, s6;
	[dreg:$0x0] =	wrdreg $0x0  }
0xb7: {  	s6 =	sshll.u32 s28, $0x1;
	[dreg:$0x2] =	wrdreg s4  }
0xb8: {  	[dreg:$0x3] =	wrdreg s6  }
0xb9: {  	[dreg:$0x4] =	wrdreg $0xC0  }
0xba: {  	_ =	task [dreg:s22], $0x5FFFF  }
0xbb: {  	[dreg:$0x1] =	wrdreg $0xFFFFFFFF  }
0xbc: {  	[dreg:$0x0] =	wrdreg $0x60  }
0xbd: {  	[dreg:$0x2] =	wrdreg s24  }
0xbe: {  	[dreg:$0x3] =	wrdreg s18  }
0xbf: {  	[dreg:$0x4] =	wrdreg $0xA  }
0xc0: {  	_ =	task.clear_ibuf [dreg:s22], $0x5FFFF;
	_ =	strace $0x90000049  }
0xc1: {  	s29 =	simm.s32 $0xA;
	_ =	strace $0x8000004B  }
0xc2: {  	_ =	swait.ge [sflag:s29], $0x1  }
0xc3: {  	[sflag:s29] =	ssyncadd.s32 $0xFFFFFFFF  }
0xc4: {  	_ =	strace $0x9000004B  }
0xc5: {  	_ =	sfence  }
0xc6: {  	s30 =	sld [smem:$0x0];
	_ =	sdelay $0x2  }
0xc7: {  	s31 =	sshll.u32 s1, $0xD;
	s1 =	sshrl.u32 s1, $0x2  }
0xc8: {  	s4 =	sand.u32 $0x4000, s31;
	s1 =	sadd.s32 s1, s30  }
0xc9: {  	s0 =	sor.u32 s4, s0;
	s1 =	sshll.u32 s1, $0x11  }
0xca: {  	s0 =	sor.u32 s1, s0  }
0xcb: {  	s0 =	sadd.s32 $0x8F2B, s0  }
0xcc: {  	[sflag:s0] =	ssyncadd.remote.s32 $0x1  }
0xcd: {  	_ =	sfence.sel $0xFFFF  }
0xce: {  	[dreg:$0x0] =	wrdreg $0xFFFFFFFF;
	(pc) =	sbr.abs _section_cstart, $3  }
0xcf: {  	[dreg:$0x1] =	wrdreg $0xFFFFFFFF  }
0xd0: {  	_ =	task.clear_ibuf [dreg:s22], $0x2FFFF;
	_ =	strace $0x9FFFFFFF  }
0xd1: {  	(tm) =	ssettm $0x7FFFFFFF  }
tec
execute0_lowered:
.L_overlay_start_1:
0x0: {  	(tag) =	ssettag $0x1  }
0x1: {  	s0 =	rddreg [dreg:$0x0]  }
0x2: {  	s1 =	rddreg [dreg:$0x1];
	s3 =	srdreg.scid;
	s2 =	simm.s32 $0x0  }
0x3: {  	s5 =	stileid.u32;
	s15 =	simm.s32 $0x2;
	s16 =	simm.s32 $0x400  }
0x4: {  	s17 =	simm.s32 $0x800;
	s28 =	simm.s32 $0xE00;
	s29 =	simm.s32 $0x9400  }
0x5: {  	s30 =	simm.s32 $0xE80;
	s31 =	simm.s32 $0xB400;
	s4 =	sand.u32 $0x1, s3  }
0x6: {  	[smem:$0x7FF] =	sst s2;
	s18 =	sshll.u32 s5, $0xB;
	s3 =	sadd.s32 $0x189000, s0  }
0x7: {  	s6 =	sadd.s32 $0x24A00, s0;
	s8 =	sadd.s32 $0x22A00, s0;
	s19 =	sshll.u32 s4, $0xA  }
0x8: {  	_ =	strace $0x8000004A;
	s4 =	ssub.s32 $0x2, s4;
	s5 =	sor.u32 s19, s18  }
0x9: {  	s9 =	sshrl.u32 s4, $0x1;
	s18 =	simm.s32 $0x80;
	s19 =	simm.s32 $0xC00  }
0xa: {  	s7 =	sshll.u32 s5, $0x3;
	s5 =	sshrl.u32 s5, $0x3;
	s4 =	ssub.s32 s4, s9  }
0xb: {  	s7 =	sadd.s32 s7, s0;
	s0 =	sadd.s32 $0xA6A00, s0;
	s20 =	sadd.s32 s1, s5  }
0xc: {  	s21 =	sadd.s32 s6, s5;
	s22 =	sadd.s32 s8, s5;
	[dreg:$0x3] =	wrdreg s20  }
0xd: {  	s14 =	smax.u32 s4, $0x1;
	s4 =	simm.s32 $0xF80;
	[dreg:$0x4] =	wrdreg s21  }
0xe: {  	[dreg:$0x5] =	wrdreg s22;
	s23 =	sadd.s32 s0, s5;
	s5 =	sor.u32 $0x1000, s5  }
0xf: {  	s24 =	sadd.s32 $0x26A00, s7;
	s13 =	sadd.s32 $0x66A00, s7;
	s20 =	simm.s32 $0x1400  }
0x10: {  	s21 =	simm.s32 $0xC80;
	s22 =	simm.s32 $0x3400;
	[dreg:$0x6] =	wrdreg s23  }
0x11: {  	s7 =	simm.s32 $0x1;
	[dreg:$0x7] =	wrdreg s24;
	s1 =	sadd.s32 s1, s5  }
0x12: {  	s25 =	sadd.s32 s6, s5;
	s26 =	sadd.s32 s8, s5;
	s12 =	sadd.s32 s0, s5  }
0x13: {  	s23 =	simm.s32 $0xD00;
	s24 =	simm.s32 $0x5400;
	[dreg:$0x8] =	wrdreg s1  }
0x14: {  	s0 =	simm.s32 $0xF00;
	s5 =	simm.s32 $0xF400;
	[dreg:$0x9] =	wrdreg s25  }
0x15: {  	s6 =	simm.s32 $0x1000;
	s8 =	simm.s32 $0x0;
	[dreg:$0xa] =	wrdreg s26  }
0x16: {  	s25 =	simm.s32 $0xD80;
	s26 =	simm.s32 $0x7400;
	s1 =	simm.s32 $0xD400  }
.LBB2_1:
0x17: {  	s9 =	rddreg [dreg:$0x3]  }
0x18: {  	[tilespmem:s2], [sflag:$0x2] =	stream.linear.gather [hbm4b:s9+s2], $0x400, $0x38;
	[tilespmem:$0x11400] =	vst v63  }
0x19: {  	_ =	swait.ge [sflag:s15], $0x400  }
0x1a: {  	[sflag:s15] =	ssyncset.done $0x0  }
0x1b: {  	s10 =	rddreg [dreg:$0x4];
	[sflag:s15] =	ssyncadd.s32 $0xFFFFFC00  }
0x1c: {  	[tilespmem:s16], [sflag:$0x2] =	stream.linear.gather [hbm4b:s10+s2], $0x400, $0x38;
	[tilespmem:$0x11400] =	vst v63  }
0x1d: {  	_ =	swait.ge [sflag:s15], $0x400  }
0x1e: {  	[sflag:s15] =	ssyncset.done $0x0  }
0x1f: {  	s11 =	rddreg [dreg:$0x5];
	[sflag:s15] =	ssyncadd.s32 $0xFFFFFC00  }
0x20: {  	[tilespmem:s17], [sflag:$0x2] =	stream.linear.gather [hbm4b:s11+s2], $0x400, $0x38;
	[tilespmem:$0x11400] =	vst v63  }
0x21: {  	_ =	swait.ge [sflag:s15], $0x400  }
0x22: {  	[sflag:s15] =	ssyncset.done $0x0  }
0x23: {  	s9 =	simm.s32 $0x0;
	[sflag:s15] =	ssyncadd.s32 $0xFFFFFC00  }
0x24: {  	v0 =	vld [tilespmem:s9+$0x0]  }
0x25: {  	v1 =	vld [tilespmem:s9+$0x400]  }
0x26: {  	v2 =	vld [tilespmem:s9+$0x800];
	_ =	sdelay $0x1  }
0x27: {  	s10 =	simm.s32 $0x40  }
.LBB2_2:
0x28: {  	s11 =	sshra.s32 s10, $0x2;
	v3 =	vmov v0;
	p0 =	sne.s32 s10, $0xFC0  }
.Ltmp0:
0x29: {  	s10 =	sadd.s32 $0x40, s10;
	v0 =	vld [tilespmem:s11+$0x0];
	v4 =	vshll.u32 v1, $0x4;
	(pc) =	sbr.rel @p0 .LBB2_2-.Ltmp0, $4  }
0x2a: {  	vm0 =	vgt.s32 v3, $0x1869F;
	v1 =	vld [tilespmem:s11+$0x400];
	v4 =	vadd.s32 v2, v4  }
0x2b: {  	v3 =	vsel vm0, $0x1869F, v3;
	v2 =	vld [tilespmem:s11+$0x800];
	v4 =	vsel vm0, $0x100, v4  }
0x2c: {  	[tilespmem:s9+$0x1000] =	vst v4  }
0x2d: {  	[tilespmem:s9+$0xC00] =	vst v3;
	s9 =	smov.u32 s11  }
0x2e: {  	_ = 	snop  }
0x2f: {  	vm0 =	vgt.s32 v0, $0x1869F;
	v1 =	vshll.u32 v1, $0x4  }
0x30: {  	v0 =	vsel vm0, $0x1869F, v0;
	v1 =	vadd.s32 v2, v1  }
0x31: {  	[tilespmem:s9+$0xC00] =	vst v0;
	v1 =	vsel vm0, $0x100, v1  }
0x32: {  	[tilespmem:s9+$0x1000] =	vst v1  }
0x33: {  	[tilespmem:s20], [sflag:$0x1] =	stream.indirect.gather [hbm4b:s3+s18], $0x40, s19, s18, $0xb8;
	[tilespmem:$0x11400] =	vst v63  }
0x34: {  	_ = 	snop  }
0x35: {  	[tilespmem:s22], [sflag:$0x1] =	stream.indirect.gather [hbm4b:s3+s18], $0x40, s21, s18, $0xb8;
	[tilespmem:$0x11400] =	vst v63  }
0x36: {  	_ = 	snop  }
0x37: {  	[tilespmem:s24], [sflag:$0x1] =	stream.indirect.gather [hbm4b:s3+s18], $0x40, s23, s18, $0xb8;
	[tilespmem:$0x11400] =	vst v63  }
0x38: {  	_ = 	snop  }
0x39: {  	[tilespmem:s26], [sflag:$0x1] =	stream.indirect.gather [hbm4b:s3+s18], $0x40, s25, s18, $0xb8;
	[tilespmem:$0x11400] =	vst v63  }
0x3a: {  	_ = 	snop  }
0x3b: {  	[tilespmem:s29], [sflag:$0x1] =	stream.indirect.gather [hbm4b:s3+s18], $0x40, s28, s18, $0xb8;
	[tilespmem:$0x11400] =	vst v63  }
0x3c: {  	_ = 	snop  }
0x3d: {  	[tilespmem:s31], [sflag:$0x1] =	stream.indirect.gather [hbm4b:s3+s18], $0x40, s30, s18, $0xb8;
	[tilespmem:$0x11400] =	vst v63  }
0x3e: {  	_ = 	snop  }
0x3f: {  	[tilespmem:s1], [sflag:$0x1] =	stream.indirect.gather [hbm4b:s3+s18], $0x40, s0, s18, $0xb8;
	[tilespmem:$0x11400] =	vst v63  }
0x40: {  	_ = 	snop  }
0x41: {  	[tilespmem:s5], [sflag:$0x1] =	stream.indirect.gather [hbm4b:s3+s18], $0x40, s4, s18, $0xb8;
	[tilespmem:$0x11400] =	vst v63  }
0x42: {  	s10 =	rddreg [dreg:$0x6];
	s9 =	simm.s32 $0x0  }
0x43: {  	[hbm4b:s10+s9] =	stream.linear.scatter [tilespmem:s6], [sflag:$0x2], $0x400, $0x38;
	[tilespmem:$0x11400] =	vst v63  }
0x44: {  	_ =	swait.ge [sflag:s15], $0x400  }
0x45: {  	[sflag:s15] =	ssyncset.done $0x0  }
0x46: {  	[sflag:s15] =	ssyncadd.s32 $0xFFFFFC00  }
0x47: {  	_ =	swait.ge [sflag:s7], $0x2000  }
0x48: {  	[sflag:s7] =	ssyncset.done $0x0  }
0x49: {  	[sflag:s7] =	ssyncadd.s32 $0xFFFFE000  }
0x4a: {  	_ =	swait.ge [sflag:s7], $0x2000  }
0x4b: {  	[sflag:s7] =	ssyncset.done $0x0  }
0x4c: {  	[sflag:s7] =	ssyncadd.s32 $0xFFFFE000  }
0x4d: {  	_ =	swait.ge [sflag:s7], $0x2000  }
0x4e: {  	[sflag:s7] =	ssyncset.done $0x0  }
0x4f: {  	[sflag:s7] =	ssyncadd.s32 $0xFFFFE000  }
0x50: {  	_ =	swait.ge [sflag:s7], $0x2000  }
0x51: {  	[sflag:s7] =	ssyncset.done $0x0  }
0x52: {  	[sflag:s7] =	ssyncadd.s32 $0xFFFFE000  }
0x53: {  	_ =	swait.ge [sflag:s7], $0x2000  }
0x54: {  	[sflag:s7] =	ssyncset.done $0x0  }
0x55: {  	[sflag:s7] =	ssyncadd.s32 $0xFFFFE000  }
0x56: {  	_ =	swait.ge [sflag:s7], $0x2000  }
0x57: {  	[sflag:s7] =	ssyncset.done $0x0  }
0x58: {  	[sflag:s7] =	ssyncadd.s32 $0xFFFFE000  }
0x59: {  	_ =	swait.ge [sflag:s7], $0x2000  }
0x5a: {  	[sflag:s7] =	ssyncset.done $0x0  }
0x5b: {  	[sflag:s7] =	ssyncadd.s32 $0xFFFFE000  }
0x5c: {  	_ =	swait.ge [sflag:s7], $0x2000  }
0x5d: {  	[sflag:s7] =	ssyncset.done $0x0  }
0x5e: {  	s11 =	rddreg [dreg:$0x7];
	[sflag:s7] =	ssyncadd.s32 $0xFFFFE000  }
0x5f: {  	[hbm4b:s11+s9] =	stream.linear.scatter [tilespmem:s20], [sflag:$0x2], $0x10000, $0x38;
	[tilespmem:$0x11400] =	vst v63  }
0x60: {  	_ =	swait.ge [sflag:s15], $0x10000  }
0x61: {  	[sflag:s15] =	ssyncset.done $0x0  }
0x62: {  	s11 =	rddreg [dreg:$0x8];
	[sflag:s15] =	ssyncadd.s32 $0xFFFF0000  }
0x63: {  	[tilespmem:s9], [sflag:$0x2] =	stream.linear.gather [hbm4b:s11+s9], $0x400, $0x38;
	[tilespmem:$0x11400] =	vst v63  }
0x64: {  	_ =	swait.ge [sflag:s15], $0x400  }
0x65: {  	[sflag:s15] =	ssyncset.done $0x0  }
0x66: {  	s11 =	rddreg [dreg:$0x9];
	[sflag:s15] =	ssyncadd.s32 $0xFFFFFC00  }
0x67: {  	[tilespmem:s16], [sflag:$0x2] =	stream.linear.gather [hbm4b:s11+s9], $0x400, $0x38;
	[tilespmem:$0x11400] =	vst v63  }
0x68: {  	_ =	swait.ge [sflag:s15], $0x400  }
0x69: {  	[sflag:s15] =	ssyncset.done $0x0  }
0x6a: {  	s11 =	rddreg [dreg:$0xa];
	[sflag:s15] =	ssyncadd.s32 $0xFFFFFC00  }
0x6b: {  	[tilespmem:s17], [sflag:$0x2] =	stream.linear.gather [hbm4b:s11+s9], $0x400, $0x38;
	[tilespmem:$0x11400] =	vst v63  }
0x6c: {  	_ =	swait.ge [sflag:s15], $0x400  }
0x6d: {  	[sflag:s15] =	ssyncset.done $0x0  }
0x6e: {  	s9 =	simm.s32 $0x0;
	[sflag:s15] =	ssyncadd.s32 $0xFFFFFC00  }
0x6f: {  	v0 =	vld [tilespmem:s9+$0x0]  }
0x70: {  	v1 =	vld [tilespmem:s9+$0x400]  }
0x71: {  	v2 =	vld [tilespmem:s9+$0x800];
	_ =	sdelay $0x1  }
0x72: {  	s10 =	simm.s32 $0x40  }
.LBB2_4:
0x73: {  	s11 =	sshra.s32 s10, $0x2;
	v3 =	vmov v0;
	p0 =	sne.s32 s10, $0xFC0  }
.Ltmp1:
0x74: {  	s10 =	sadd.s32 $0x40, s10;
	v0 =	vld [tilespmem:s11+$0x0];
	v4 =	vshll.u32 v1, $0x4;
	(pc) =	sbr.rel @p0 .LBB2_4-.Ltmp1, $4  }
0x75: {  	vm0 =	vgt.s32 v3, $0x1869F;
	v1 =	vld [tilespmem:s11+$0x400];
	v4 =	vadd.s32 v2, v4  }
0x76: {  	v3 =	vsel vm0, $0x1869F, v3;
	v2 =	vld [tilespmem:s11+$0x800];
	v4 =	vsel vm0, $0x100, v4  }
0x77: {  	[tilespmem:s9+$0x1000] =	vst v4  }
0x78: {  	[tilespmem:s9+$0xC00] =	vst v3;
	s9 =	smov.u32 s11  }
0x79: {  	_ = 	snop  }
0x7a: {  	vm0 =	vgt.s32 v0, $0x1869F;
	v1 =	vshll.u32 v1, $0x4  }
0x7b: {  	v0 =	vsel vm0, $0x1869F, v0;
	v1 =	vadd.s32 v2, v1  }
0x7c: {  	[tilespmem:s9+$0xC00] =	vst v0;
	v1 =	vsel vm0, $0x100, v1  }
0x7d: {  	[tilespmem:s9+$0x1000] =	vst v1  }
0x7e: {  	[tilespmem:s20], [sflag:$0x1] =	stream.indirect.gather [hbm4b:s3+s18], $0x40, s19, s18, $0xb8;
	[tilespmem:$0x11400] =	vst v63  }
0x7f: {  	_ = 	snop  }
0x80: {  	[tilespmem:s22], [sflag:$0x1] =	stream.indirect.gather [hbm4b:s3+s18], $0x40, s21, s18, $0xb8;
	[tilespmem:$0x11400] =	vst v63  }
0x81: {  	_ = 	snop  }
0x82: {  	[tilespmem:s24], [sflag:$0x1] =	stream.indirect.gather [hbm4b:s3+s18], $0x40, s23, s18, $0xb8;
	[tilespmem:$0x11400] =	vst v63  }
0x83: {  	_ = 	snop  }
0x84: {  	[tilespmem:s26], [sflag:$0x1] =	stream.indirect.gather [hbm4b:s3+s18], $0x40, s25, s18, $0xb8;
	[tilespmem:$0x11400] =	vst v63  }
0x85: {  	_ = 	snop  }
0x86: {  	[tilespmem:s29], [sflag:$0x1] =	stream.indirect.gather [hbm4b:s3+s18], $0x40, s28, s18, $0xb8;
	[tilespmem:$0x11400] =	vst v63  }
0x87: {  	_ = 	snop  }
0x88: {  	[tilespmem:s31], [sflag:$0x1] =	stream.indirect.gather [hbm4b:s3+s18], $0x40, s30, s18, $0xb8;
	[tilespmem:$0x11400] =	vst v63  }
0x89: {  	_ = 	snop  }
0x8a: {  	[tilespmem:s1], [sflag:$0x1] =	stream.indirect.gather [hbm4b:s3+s18], $0x40, s0, s18, $0xb8;
	[tilespmem:$0x11400] =	vst v63  }
0x8b: {  	_ = 	snop  }
0x8c: {  	[tilespmem:s5], [sflag:$0x1] =	stream.indirect.gather [hbm4b:s3+s18], $0x40, s4, s18, $0xb8;
	[tilespmem:$0x11400] =	vst v63  }
0x8d: {  	_ = 	snop  }
0x8e: {  	[hbm4b:s12+s2] =	stream.linear.scatter [tilespmem:s6], [sflag:$0x2], $0x400, $0x38;
	[tilespmem:$0x11400] =	vst v63  }
0x8f: {  	_ =	swait.ge [sflag:s15], $0x400  }
0x90: {  	[sflag:s15] =	ssyncset.done $0x0  }
0x91: {  	[sflag:s15] =	ssyncadd.s32 $0xFFFFFC00  }
0x92: {  	_ =	swait.ge [sflag:s7], $0x2000  }
0x93: {  	[sflag:s7] =	ssyncset.done $0x0  }
0x94: {  	[sflag:s7] =	ssyncadd.s32 $0xFFFFE000  }
0x95: {  	_ =	swait.ge [sflag:s7], $0x2000  }
0x96: {  	[sflag:s7] =	ssyncset.done $0x0  }
0x97: {  	[sflag:s7] =	ssyncadd.s32 $0xFFFFE000  }
0x98: {  	_ =	swait.ge [sflag:s7], $0x2000  }
0x99: {  	[sflag:s7] =	ssyncset.done $0x0  }
0x9a: {  	[sflag:s7] =	ssyncadd.s32 $0xFFFFE000  }
0x9b: {  	_ =	swait.ge [sflag:s7], $0x2000  }
0x9c: {  	[sflag:s7] =	ssyncset.done $0x0  }
0x9d: {  	[sflag:s7] =	ssyncadd.s32 $0xFFFFE000  }
0x9e: {  	_ =	swait.ge [sflag:s7], $0x2000  }
0x9f: {  	[sflag:s7] =	ssyncset.done $0x0  }
0xa0: {  	[sflag:s7] =	ssyncadd.s32 $0xFFFFE000  }
0xa1: {  	_ =	swait.ge [sflag:s7], $0x2000  }
0xa2: {  	[sflag:s7] =	ssyncset.done $0x0  }
0xa3: {  	[sflag:s7] =	ssyncadd.s32 $0xFFFFE000  }
0xa4: {  	_ =	swait.ge [sflag:s7], $0x2000  }
0xa5: {  	[sflag:s7] =	ssyncset.done $0x0  }
0xa6: {  	[sflag:s7] =	ssyncadd.s32 $0xFFFFE000  }
0xa7: {  	s8 =	sadd.s32 $0x1, s8;
	_ =	swait.ge [sflag:s7], $0x2000  }
0xa8: {  	p0 =	sne.s32 s8, s14;
	[sflag:s7] =	ssyncset.done $0x0  }
.Ltmp2:
0xa9: {  	[sflag:s7] =	ssyncadd.s32 $0xFFFFE000;
	(pc) =	sbr.rel @p0 .LBB2_1-.Ltmp2, $4  }
0xaa: {  	[hbm4b:s13+s2] =	stream.linear.scatter [tilespmem:s20], [sflag:$0x2], $0x10000, $0x38;
	[tilespmem:$0x11400] =	vst v63  }
0xab: {  	_ =	swait.ge [sflag:s15], $0x10000  }
0xac: {  	[sflag:s15] =	ssyncset.done $0x0  }
0xad: {  	[sflag:s15] =	ssyncadd.s32 $0xFFFF0000  }
0xae: {  	_ =	sfence.sel $0x180000  }
0xaf: {  	[bflag:$0x0] =	sbarrier.arrive $0xFFFF  }
0xb0: {  	_ =	strace $0x9000004A  }
0xb1: {  	s0 =	stileid.u32;
	[bflag:$0x2] =	sbarrier.arrive $0xFFFF  }
0xb2: {  	p0 =	sne.s32 s0, $0x0;
	s0 =	rddreg [dreg:$0x2]  }
0xb3: {  	s0 =	sadd.s32 @!p0 $0x100000, s0  }
0xb4: {  	[sflag:s0] =	ssyncadd.tile.s32 @!p0 $0x1;
	_ =	shalt  }
.Lfunc_end2:
_tile_overlayer_lowered:
.L_overlay_start_2:
0xb5: {  	(tag) =	ssettag $0x2  }
0xb6: {  	s0 =	rddreg [dreg:$0x0];
	s2 =	stileid.u32  }
0xb7: {  	s1 =	rddreg [dreg:$0x1];
	p0 =	sne.s32 s2, $0x0  }
0xb8: {  	s3 =	rddreg [dreg:$0x2];
	[bflag:$0x3] =	sbarrier.arrive $0xFFFF;
	s2 =	simm.s32 @!p0 $0x1C02  }
0xb9: {  	[timem:s3], [sflag:s2] =	dma.local @!p0 [hbm:s0], s1  }
0xba: {  	s0 =	simm.s32 @!p0 $0x2  }
0xbb: {  	_ =	swait.ge @!p0 [sflag:s0], s1  }
0xbc: {  	s1 =	ssub.s32 @!p0 $0x0, s1;
	[sflag:s0] =	ssyncset.done @!p0 $0x0  }
0xbd: {  	[sflag:s0] =	ssyncadd.s32 @!p0 s1  }
0xbe: {  	[bflag:$0x3] =	sbarrier.arrive $0xFFFF  }
0xbf: {  	_ =	shalt  }

</sc_bundles>
